<compile_context>
chip_gen: v7x
topology: tpu7x:2x2x1
jax: 0.10.2.dev20260603
libtpu: 0.0.44.dev20260713+nightly
codegen_flags: <defaults>
</compile_context>

<pallas_src>
import functools

import jax
import jax.numpy as jnp
from jax import lax
from jax.experimental import pallas as pl
from jax.experimental.pallas import tpu as pltpu
from jax.experimental.pallas import tpu_sc as plsc

_V = 100000
_E = 64
_B = 4096
_H = 200

_NC = 2
_NS = 16
_NW = _NC * _NS
_LANES = 16

_ROWS_PER_W = _B // _NW
_GROUPS = _ROWS_PER_W // _LANES


def _stage1_body(b_ref, tblT_ref, w_ref, out_ref):
    out_ref[...] = jnp.sum(tblT_ref[...] * w_ref[...], axis=0) + b_ref[0]


def _stage1(tableT, w_scaled, b_scaled):
    blk = 25600
    return pl.pallas_call(
        _stage1_body,
        grid=(pl.cdiv(_V, blk),),
        in_specs=[
            pl.BlockSpec(memory_space=pltpu.SMEM),
            pl.BlockSpec((_E, blk), lambda i: (0, i)),
            pl.BlockSpec((_E, 1), lambda i: (0, 0)),
        ],
        out_specs=pl.BlockSpec((blk,), lambda i: (i,)),
        out_shape=jax.ShapeDtypeStruct((_V,), jnp.float32),
    )(b_scaled, tableT, w_scaled)


_CHUNK_ROWS = 64
_CHUNKS = 4


def _sc_body(t_hbm, x4_hbm, out_hbm, t_v, idx_a, idx_b, res_v, sem_t, sem_x):
    wid = lax.axis_index("s") * _NC + lax.axis_index("c")

    def chunk_src(c):
        return x4_hbm.at[:, 2 * wid + c // 2, :, pl.ds((c % 2) * _CHUNK_ROWS, _CHUNK_ROWS)]

    @pl.when(wid < _NW // 2)
    def _():
        bufs = [idx_a, idx_b]
        ct = pltpu.async_copy(t_hbm, t_v, sem_t)
        cps = [pltpu.async_copy(chunk_src(0), bufs[0], sem_x), None]

        for c in range(_CHUNKS):
            cps[c % 2].wait()
            if c == 0:
                ct.wait()
            if c + 1 < _CHUNKS:
                cps[(c + 1) % 2] = pltpu.async_copy(
                    chunk_src(c + 1), bufs[(c + 1) % 2], sem_x
                )
            buf = bufs[c % 2]

            def group_body(g, _, buf=buf):
                def tok_body(lh, acc, g=g, buf=buf):
                    for ll in range(8):
                        iv = buf[lh, ll, pl.ds(g * _LANES, _LANES)]
                        acc = acc + plsc.load_gather(t_v, [iv])
                    return acc

                z = lax.fori_loop(
                    0, _H // 8, tok_body, jnp.zeros((_LANES,), jnp.float32)
                )
                res_v[pl.ds(g * _LANES, _LANES)] = 1.0 / (1.0 + jnp.exp(-z))
                return _

            lax.fori_loop(0, _CHUNK_ROWS // _LANES, group_body, None)

            pltpu.sync_copy(
                res_v, out_hbm.at[pl.ds((2 * wid) * _ROWS_PER_W + c * _CHUNK_ROWS, _CHUNK_ROWS)]
            )


@functools.cache
def _sc_stage2():
    return pl.kernel(
        _sc_body,
        out_type=jax.ShapeDtypeStruct((_B,), jnp.float32),
        mesh=plsc.VectorSubcoreMesh(
            core_axis_name="c", subcore_axis_name="s", num_cores=_NC, num_subcores=_NS
        ),
        scratch_types=[
            pltpu.VMEM((_V,), jnp.float32),
            pltpu.VMEM((_H // 8, 8, _CHUNK_ROWS), jnp.int32),
            pltpu.VMEM((_H // 8, 8, _CHUNK_ROWS), jnp.int32),
            pltpu.VMEM((_CHUNK_ROWS,), jnp.float32),
            pltpu.SemaphoreType.DMA,
            pltpu.SemaphoreType.DMA,
        ],
        compiler_params=pltpu.CompilerParams(
            use_tc_tiling_on_sc=False, needs_layout_passes=False
        ),
    )


@jax.jit
def kernel(x, table, W, b):
    w_scaled = (W.astype(jnp.float32) * (1.0 / _H)).reshape(_E, 1)
    b_scaled = b.astype(jnp.float32) * (1.0 / _H)
    t = _stage1(table.T, w_scaled, b_scaled)
    x4 = (
        x.astype(jnp.int32)
        .T.reshape(_H // 8, 8, _NW, _ROWS_PER_W)
        .transpose(0, 2, 1, 3)
    )
    y = _sc_stage2()(t, x4)
    return y.reshape(_B, 1)

# --- scband reference (transcript-rebuilt; emitter-appended) ---
"""Pipeline reference for scband-logistic-regression-63694365000268 (READ-ONLY COPY).

The authoritative reference and input builder live on the scoring server;
editing this copy changes nothing except your own understanding.
"""

import jax, jax.numpy as jnp
import numpy as np

VOCAB = 100000
EMB = 64
BATCH = 4096
HIST = 200

def setup_inputs(seed: int = 0) -> dict:
    key = jax.random.key(seed)
    k1, k2, k3 = jax.random.split(key, 3)
    x = jax.random.randint(k1, (BATCH, HIST), 0, VOCAB, dtype=jnp.int64 if jax.config.jax_enable_x64 else jnp.int32)
    table = jax.random.normal(k2, (VOCAB, EMB), dtype=jnp.float32) * 0.02
    W = jax.random.normal(k3, (EMB, 1), dtype=jnp.float32) * 0.05
    b = jnp.zeros((1,), dtype=jnp.float32)
    return {"x": x, "table": table, "W": W, "b": b}

def reference(x, table, W, b):
    # embedding lookup: gather rows of table
    emb = jnp.take(table, x, axis=0)            # [B, L, EMB]
    pooled = jnp.mean(emb, axis=1)              # [B, EMB]
    y_pred = jax.nn.sigmoid(pooled @ W + b)     # [B, 1]
    return y_pred

if __name__ == "__main__":
    import jax
    _d = setup_inputs()
    print(jax.jit(kernel)(*tuple(_d.values())))

</pallas_src>

<mosaic_0001>
#map = affine_map<(d0, d1) -> (0)>
#map1 = affine_map<(d0, d1) -> (0, 0, 0, 0)>
module attributes {stable_mosaic.version = 14 : i64} {
  func.func @_sc_body(%arg0: i32, %arg1: i32, %arg2: memref<100000xf32, #tpu.memory_space<hbm>>, %arg3: memref<25x32x8x128xi32, #tpu.memory_space<hbm>>, %arg4: memref<4096xf32, #tpu.memory_space<hbm>>, %arg5: memref<100000xf32, #tpu.memory_space<vmem>>, %arg6: memref<25x8x64xi32, #tpu.memory_space<vmem>>, %arg7: memref<25x8x64xi32, #tpu.memory_space<vmem>>, %arg8: memref<64xf32, #tpu.memory_space<vmem>>, %arg9: memref<!tpu.dma_semaphore, #tpu.memory_space<semaphore_mem>>, %arg10: memref<!tpu.dma_semaphore, #tpu.memory_space<semaphore_mem>>) attributes {dimension_semantics = [#tpu.dimension_semantics<core_parallel>, #tpu.dimension_semantics<subcore_parallel>], iteration_bounds = array<i64: 2, 16>, scalar_prefetch = 0 : i64, scratch_operands = 6 : i64, tpu.core_type = #tpu.core_type<sc_vector_subcore>, window_params = [{transform_indices = #map}, {transform_indices = #map1}, {transform_indices = #map}]} {
    %mul3A = arith.constant 2 : i32
    %mul3A_0 = arith.muli %arg1, %mul3A : i32
    %add3A = arith.addi %mul3A_0, %arg0 : i32
    %lt3A = arith.constant 16 : i32
    %lt3A_1 = arith.cmpi slt, %add3A, %lt3A : i32
    %convert_element_type3A = arith.extui %lt3A_1 : i1 to i32
    %cond3A = arith.constant 0 : i32
    %cond3A_2 = arith.cmpi ne, %convert_element_type3A, %cond3A : i32
    scf.if %cond3A_2 {
      tpu.enqueue_dma source(%arg2 : memref<100000xf32, #tpu.memory_space<hbm>>) target(%arg5 : memref<100000xf32, #tpu.memory_space<vmem>>) target_semaphore(%arg9 : memref<!tpu.dma_semaphore, #tpu.memory_space<semaphore_mem>>)
      %mul3A_3 = arith.constant 2 : i32
      %mul3A_4 = arith.muli %mul3A_3, %add3A : i32
      %add3A_5 = arith.constant 0 : i32
      %add3A_6 = arith.addi %mul3A_4, %add3A_5 : i32
      %dma_start3A = arith.constant 0 : i32
      %dma_start3A_7 = arith.constant 0 : i32
      %dma_start3A_8 = arith.constant 0 : i32
      %dma_start3A_9 = tpu.memref_slice %arg3[%dma_start3A, %add3A_6, %dma_start3A_7, %dma_start3A_8] : memref<25x32x8x128xi32, #tpu.memory_space<hbm>> -> memref<25x1x8x64xi32, #tpu.memory_space<hbm>>
      %dma_start3A_10 = tpu.memref_squeeze %dma_start3A_9 : memref<25x1x8x64xi32, #tpu.memory_space<hbm>> -> memref<25x8x64xi32, #tpu.memory_space<hbm>>
      %dma_start3A_11 = arith.constant 0 : i32
      %dma_start3A_12 = arith.constant 0 : i32
      %dma_start3A_13 = arith.constant 0 : i32
      %dma_start3A_14 = tpu.memref_slice %arg3[%dma_start3A_11, %add3A_6, %dma_start3A_12, %dma_start3A_13] : memref<25x32x8x128xi32, #tpu.memory_space<hbm>> -> memref<25x1x8x64xi32, #tpu.memory_space<hbm>>
      %dma_start3A_15 = tpu.memref_squeeze %dma_start3A_14 : memref<25x1x8x64xi32, #tpu.memory_space<hbm>> -> memref<25x8x64xi32, #tpu.memory_space<hbm>>
      tpu.enqueue_dma source(%dma_start3A_15 : memref<25x8x64xi32, #tpu.memory_space<hbm>>) target(%arg6 : memref<25x8x64xi32, #tpu.memory_space<vmem>>) target_semaphore(%arg10 : memref<!tpu.dma_semaphore, #tpu.memory_space<semaphore_mem>>)
      %dma_wait3A = arith.constant 0 : i32
      %dma_wait3A_16 = arith.constant 0 : i32
      %dma_wait3A_17 = arith.constant 0 : i32
      %dma_wait3A_18 = tpu.memref_slice %arg3[%dma_wait3A, %add3A_6, %dma_wait3A_16, %dma_wait3A_17] : memref<25x32x8x128xi32, #tpu.memory_space<hbm>> -> memref<25x1x8x64xi32, #tpu.memory_space<hbm>>
      %dma_wait3A_19 = tpu.memref_squeeze %dma_wait3A_18 : memref<25x1x8x64xi32, #tpu.memory_space<hbm>> -> memref<25x8x64xi32, #tpu.memory_space<hbm>>
      %dma_wait3A_20 = arith.constant 0 : i32
      %dma_wait3A_21 = arith.constant 0 : i32
      %dma_wait3A_22 = arith.constant 0 : i32
      %dma_wait3A_23 = tpu.memref_slice %arg3[%dma_wait3A_20, %add3A_6, %dma_wait3A_21, %dma_wait3A_22] : memref<25x32x8x128xi32, #tpu.memory_space<hbm>> -> memref<25x1x8x64xi32, #tpu.memory_space<hbm>>
      %dma_wait3A_24 = tpu.memref_squeeze %dma_wait3A_23 : memref<25x1x8x64xi32, #tpu.memory_space<hbm>> -> memref<25x8x64xi32, #tpu.memory_space<hbm>>
      tpu.wait_dma2 semaphore(%arg10 : memref<!tpu.dma_semaphore, #tpu.memory_space<semaphore_mem>>) src(%dma_wait3A_24 : memref<25x8x64xi32, #tpu.memory_space<hbm>>) dst(%arg6 : memref<25x8x64xi32, #tpu.memory_space<vmem>>)
      tpu.wait_dma2 semaphore(%arg9 : memref<!tpu.dma_semaphore, #tpu.memory_space<semaphore_mem>>) src(%arg2 : memref<100000xf32, #tpu.memory_space<hbm>>) dst(%arg5 : memref<100000xf32, #tpu.memory_space<vmem>>)
      %mul3A_25 = arith.constant 2 : i32
      %mul3A_26 = arith.muli %mul3A_25, %add3A : i32
      %add3A_27 = arith.constant 0 : i32
      %add3A_28 = arith.addi %mul3A_26, %add3A_27 : i32
      %dma_start3A_29 = arith.constant 0 : i32
      %dma_start3A_30 = arith.constant 0 : i32
      %dma_start3A_31 = arith.constant 64 : i32
      %dma_start3A_32 = tpu.memref_slice %arg3[%dma_start3A_29, %add3A_28, %dma_start3A_30, %dma_start3A_31] : memref<25x32x8x128xi32, #tpu.memory_space<hbm>> -> memref<25x1x8x64xi32, #tpu.memory_space<hbm>>
      %dma_start3A_33 = tpu.memref_squeeze %dma_start3A_32 : memref<25x1x8x64xi32, #tpu.memory_space<hbm>> -> memref<25x8x64xi32, #tpu.memory_space<hbm>>
      %dma_start3A_34 = arith.constant 0 : i32
      %dma_start3A_35 = arith.constant 0 : i32
      %dma_start3A_36 = arith.constant 64 : i32
      %dma_start3A_37 = tpu.memref_slice %arg3[%dma_start3A_34, %add3A_28, %dma_start3A_35, %dma_start3A_36] : memref<25x32x8x128xi32, #tpu.memory_space<hbm>> -> memref<25x1x8x64xi32, #tpu.memory_space<hbm>>
      %dma_start3A_38 = tpu.memref_squeeze %dma_start3A_37 : memref<25x1x8x64xi32, #tpu.memory_space<hbm>> -> memref<25x8x64xi32, #tpu.memory_space<hbm>>
      tpu.enqueue_dma source(%dma_start3A_38 : memref<25x8x64xi32, #tpu.memory_space<hbm>>) target(%arg7 : memref<25x8x64xi32, #tpu.memory_space<vmem>>) target_semaphore(%arg10 : memref<!tpu.dma_semaphore, #tpu.memory_space<semaphore_mem>>)
      %scan3A = arith.constant 0 : i32
      %scan3A_39 = arith.constant 4 : i32
      %scan3A_40 = arith.addi %scan3A, %scan3A_39 : i32
      %scan3A_41 = arith.constant 1 : i32
      scf.for %scan3A_140 = %scan3A to %scan3A_40 step %scan3A_41  : i32 {
        %broadcast_in_dim3A = arith.constant 0.000000e+00 : f32
        %broadcast_in_dim3A_141 = vector.broadcast %broadcast_in_dim3A : f32 to vector<16xf32>
        %scan3A_142 = arith.constant 0 : i32
        %scan3A_143 = arith.constant 25 : i32
        %scan3A_144 = arith.addi %scan3A_142, %scan3A_143 : i32
        %scan3A_145 = arith.constant 1 : i32
        %scan3A_146 = scf.for %scan3A_158 = %scan3A_142 to %scan3A_144 step %scan3A_145 iter_args(%scan3A_159 = %broadcast_in_dim3A_141) -> (vector<16xf32>)  : i32 {
          %mul3A_160 = arith.constant 16 : i32
          %mul3A_161 = arith.muli %scan3A_140, %mul3A_160 : i32
          %get3A = arith.constant 0 : i32
          %get3A_162 = arith.index_cast %scan3A_158 : i32 to index
          %get3A_163 = arith.index_cast %get3A : i32 to index
          %get3A_164 = arith.index_cast %mul3A_161 : i32 to index
          %get3A_165 = tpu.vector_load %arg6[%get3A_162, %get3A_163, %get3A_164] {strides = array<i32>} : memref<25x8x64xi32, #tpu.memory_space<vmem>>, vector<16xi32>,
          %gather3A = tpu.vector_load_idx %arg5[%get3A_165] : memref<100000xf32, #tpu.memory_space<vmem>>[vector<16xi32>], vector<16xf32>,
          %add3A_166 = arith.addf %scan3A_159, %gather3A : vector<16xf32>
          %mul3A_167 = arith.constant 16 : i32
          %mul3A_168 = arith.muli %scan3A_140, %mul3A_167 : i32
          %get3A_169 = arith.constant 1 : i32
          %get3A_170 = arith.index_cast %scan3A_158 : i32 to index
          %get3A_171 = arith.index_cast %get3A_169 : i32 to index
          %get3A_172 = arith.index_cast %mul3A_168 : i32 to index
          %get3A_173 = tpu.vector_load %arg6[%get3A_170, %get3A_171, %get3A_172] {strides = array<i32>} : memref<25x8x64xi32, #tpu.memory_space<vmem>>, vector<16xi32>,
          %gather3A_174 = tpu.vector_load_idx %arg5[%get3A_173] : memref<100000xf32, #tpu.memory_space<vmem>>[vector<16xi32>], vector<16xf32>,
          %add3A_175 = arith.addf %add3A_166, %gather3A_174 : vector<16xf32>
          %mul3A_176 = arith.constant 16 : i32
          %mul3A_177 = arith.muli %scan3A_140, %mul3A_176 : i32
          %get3A_178 = arith.constant 2 : i32
          %get3A_179 = arith.index_cast %scan3A_158 : i32 to index
          %get3A_180 = arith.index_cast %get3A_178 : i32 to index
          %get3A_181 = arith.index_cast %mul3A_177 : i32 to index
          %get3A_182 = tpu.vector_load %arg6[%get3A_179, %get3A_180, %get3A_181] {strides = array<i32>} : memref<25x8x64xi32, #tpu.memory_space<vmem>>, vector<16xi32>,
          %gather3A_183 = tpu.vector_load_idx %arg5[%get3A_182] : memref<100000xf32, #tpu.memory_space<vmem>>[vector<16xi32>], vector<16xf32>,
          %add3A_184 = arith.addf %add3A_175, %gather3A_183 : vector<16xf32>
          %mul3A_185 = arith.constant 16 : i32
          %mul3A_186 = arith.muli %scan3A_140, %mul3A_185 : i32
          %get3A_187 = arith.constant 3 : i32
          %get3A_188 = arith.index_cast %scan3A_158 : i32 to index
          %get3A_189 = arith.index_cast %get3A_187 : i32 to index
          %get3A_190 = arith.index_cast %mul3A_186 : i32 to index
          %get3A_191 = tpu.vector_load %arg6[%get3A_188, %get3A_189, %get3A_190] {strides = array<i32>} : memref<25x8x64xi32, #tpu.memory_space<vmem>>, vector<16xi32>,
          %gather3A_192 = tpu.vector_load_idx %arg5[%get3A_191] : memref<100000xf32, #tpu.memory_space<vmem>>[vector<16xi32>], vector<16xf32>,
          %add3A_193 = arith.addf %add3A_184, %gather3A_192 : vector<16xf32>
          %mul3A_194 = arith.constant 16 : i32
          %mul3A_195 = arith.muli %scan3A_140, %mul3A_194 : i32
          %get3A_196 = arith.constant 4 : i32
          %get3A_197 = arith.index_cast %scan3A_158 : i32 to index
          %get3A_198 = arith.index_cast %get3A_196 : i32 to index
          %get3A_199 = arith.index_cast %mul3A_195 : i32 to index
          %get3A_200 = tpu.vector_load %arg6[%get3A_197, %get3A_198, %get3A_199] {strides = array<i32>} : memref<25x8x64xi32, #tpu.memory_space<vmem>>, vector<16xi32>,
          %gather3A_201 = tpu.vector_load_idx %arg5[%get3A_200] : memref<100000xf32, #tpu.memory_space<vmem>>[vector<16xi32>], vector<16xf32>,
          %add3A_202 = arith.addf %add3A_193, %gather3A_201 : vector<16xf32>
          %mul3A_203 = arith.constant 16 : i32
          %mul3A_204 = arith.muli %scan3A_140, %mul3A_203 : i32
          %get3A_205 = arith.constant 5 : i32
          %get3A_206 = arith.index_cast %scan3A_158 : i32 to index
          %get3A_207 = arith.index_cast %get3A_205 : i32 to index
          %get3A_208 = arith.index_cast %mul3A_204 : i32 to index
          %get3A_209 = tpu.vector_load %arg6[%get3A_206, %get3A_207, %get3A_208] {strides = array<i32>} : memref<25x8x64xi32, #tpu.memory_space<vmem>>, vector<16xi32>,
          %gather3A_210 = tpu.vector_load_idx %arg5[%get3A_209] : memref<100000xf32, #tpu.memory_space<vmem>>[vector<16xi32>], vector<16xf32>,
          %add3A_211 = arith.addf %add3A_202, %gather3A_210 : vector<16xf32>
          %mul3A_212 = arith.constant 16 : i32
          %mul3A_213 = arith.muli %scan3A_140, %mul3A_212 : i32
          %get3A_214 = arith.constant 6 : i32
          %get3A_215 = arith.index_cast %scan3A_158 : i32 to index
          %get3A_216 = arith.index_cast %get3A_214 : i32 to index
          %get3A_217 = arith.index_cast %mul3A_213 : i32 to index
          %get3A_218 = tpu.vector_load %arg6[%get3A_215, %get3A_216, %get3A_217] {strides = array<i32>} : memref<25x8x64xi32, #tpu.memory_space<vmem>>, vector<16xi32>,
          %gather3A_219 = tpu.vector_load_idx %arg5[%get3A_218] : memref<100000xf32, #tpu.memory_space<vmem>>[vector<16xi32>], vector<16xf32>,
          %add3A_220 = arith.addf %add3A_211, %gather3A_219 : vector<16xf32>
          %mul3A_221 = arith.constant 16 : i32
          %mul3A_222 = arith.muli %scan3A_140, %mul3A_221 : i32
          %get3A_223 = arith.constant 7 : i32
          %get3A_224 = arith.index_cast %scan3A_158 : i32 to index
          %get3A_225 = arith.index_cast %get3A_223 : i32 to index
          %get3A_226 = arith.index_cast %mul3A_222 : i32 to index
          %get3A_227 = tpu.vector_load %arg6[%get3A_224, %get3A_225, %get3A_226] {strides = array<i32>} : memref<25x8x64xi32, #tpu.memory_space<vmem>>, vector<16xi32>,
          %gather3A_228 = tpu.vector_load_idx %arg5[%get3A_227] : memref<100000xf32, #tpu.memory_space<vmem>>[vector<16xi32>], vector<16xf32>,
          %add3A_229 = arith.addf %add3A_220, %gather3A_228 : vector<16xf32>
          scf.yield %add3A_229 : vector<16xf32>
        }
        %scan3A_147 = arith.constant 25 : i32
        %neg3A = arith.constant 0.000000e+00 : f32
        %neg3A_148 = vector.broadcast %neg3A : f32 to vector<16xf32>
        %neg3A_149 = arith.subf %neg3A_148, %scan3A_146 : vector<16xf32>
        %exp3A = math.exp %neg3A_149 : vector<16xf32>
        %add3A_150 = arith.constant 1.000000e+00 : f32
        %add3A_151 = vector.broadcast %add3A_150 : f32 to vector<16xf32>
        %add3A_152 = arith.addf %add3A_151, %exp3A : vector<16xf32>
        %div3A = arith.constant 1.000000e+00 : f32
        %div3A_153 = vector.broadcast %div3A : f32 to vector<16xf32>
        %div3A_154 = arith.divf %div3A_153, %add3A_152 : vector<16xf32>
        %mul3A_155 = arith.constant 16 : i32
        %mul3A_156 = arith.muli %scan3A_140, %mul3A_155 : i32
        %swap3A = arith.index_cast %mul3A_156 : i32 to index
        %swap3A_157 = tpu.vector_load %arg8[%swap3A] {strides = array<i32>} : memref<64xf32, #tpu.memory_space<vmem>>, vector<16xf32>,
        tpu.vector_store %arg8[%swap3A], %div3A_154 {strides = array<i32>} : memref<64xf32, #tpu.memory_space<vmem>>, vector<16xf32>,
      }
      %scan3A_42 = arith.constant 4 : i32
      %mul3A_43 = arith.constant 2 : i32
      %mul3A_44 = arith.muli %mul3A_43, %add3A : i32
      %mul3A_45 = arith.constant 128 : i32
      %mul3A_46 = arith.muli %mul3A_44, %mul3A_45 : i32
      %add3A_47 = arith.constant 0 : i32
      %add3A_48 = arith.addi %mul3A_46, %add3A_47 : i32
      "tpu.region"() ({
        %run_scoped3A = tpu.sem_alloc : memref<!tpu.dma_semaphore, #tpu.memory_space<semaphore_mem>>
        %dma_start3A_140 = tpu.memref_slice %arg4[%add3A_48] : memref<4096xf32, #tpu.memory_space<hbm>> -> memref<64xf32, #tpu.memory_space<hbm>>
        %dma_start3A_141 = tpu.memref_slice %arg4[%add3A_48] : memref<4096xf32, #tpu.memory_space<hbm>> -> memref<64xf32, #tpu.memory_space<hbm>>
        tpu.enqueue_dma source(%arg8 : memref<64xf32, #tpu.memory_space<vmem>>) target(%dma_start3A_141 : memref<64xf32, #tpu.memory_space<hbm>>) target_semaphore(%run_scoped3A : memref<!tpu.dma_semaphore, #tpu.memory_space<semaphore_mem>>)
        %dma_wait3A_142 = tpu.memref_slice %arg4[%add3A_48] : memref<4096xf32, #tpu.memory_space<hbm>> -> memref<64xf32, #tpu.memory_space<hbm>>
        %dma_wait3A_143 = tpu.memref_slice %arg4[%add3A_48] : memref<4096xf32, #tpu.memory_space<hbm>> -> memref<64xf32, #tpu.memory_space<hbm>>
        tpu.wait_dma2 semaphore(%run_scoped3A : memref<!tpu.dma_semaphore, #tpu.memory_space<semaphore_mem>>) src(%arg8 : memref<64xf32, #tpu.memory_space<vmem>>) dst(%dma_wait3A_143 : memref<64xf32, #tpu.memory_space<hbm>>)
        tpu.yield
      }) : () -> ()
      %dma_wait3A_49 = arith.constant 0 : i32
      %dma_wait3A_50 = arith.constant 0 : i32
      %dma_wait3A_51 = arith.constant 64 : i32
      %dma_wait3A_52 = tpu.memref_slice %arg3[%dma_wait3A_49, %add3A_28, %dma_wait3A_50, %dma_wait3A_51] : memref<25x32x8x128xi32, #tpu.memory_space<hbm>> -> memref<25x1x8x64xi32, #tpu.memory_space<hbm>>
      %dma_wait3A_53 = tpu.memref_squeeze %dma_wait3A_52 : memref<25x1x8x64xi32, #tpu.memory_space<hbm>> -> memref<25x8x64xi32, #tpu.memory_space<hbm>>
      %dma_wait3A_54 = arith.constant 0 : i32
      %dma_wait3A_55 = arith.constant 0 : i32
      %dma_wait3A_56 = arith.constant 64 : i32
      %dma_wait3A_57 = tpu.memref_slice %arg3[%dma_wait3A_54, %add3A_28, %dma_wait3A_55, %dma_wait3A_56] : memref<25x32x8x128xi32, #tpu.memory_space<hbm>> -> memref<25x1x8x64xi32, #tpu.memory_space<hbm>>
      %dma_wait3A_58 = tpu.memref_squeeze %dma_wait3A_57 : memref<25x1x8x64xi32, #tpu.memory_space<hbm>> -> memref<25x8x64xi32, #tpu.memory_space<hbm>>
      tpu.wait_dma2 semaphore(%arg10 : memref<!tpu.dma_semaphore, #tpu.memory_space<semaphore_mem>>) src(%dma_wait3A_58 : memref<25x8x64xi32, #tpu.memory_space<hbm>>) dst(%arg7 : memref<25x8x64xi32, #tpu.memory_space<vmem>>)
      %mul3A_59 = arith.constant 2 : i32
      %mul3A_60 = arith.muli %mul3A_59, %add3A : i32
      %add3A_61 = arith.constant 1 : i32
      %add3A_62 = arith.addi %mul3A_60, %add3A_61 : i32
      %dma_start3A_63 = arith.constant 0 : i32
      %dma_start3A_64 = arith.constant 0 : i32
      %dma_start3A_65 = arith.constant 0 : i32
      %dma_start3A_66 = tpu.memref_slice %arg3[%dma_start3A_63, %add3A_62, %dma_start3A_64, %dma_start3A_65] : memref<25x32x8x128xi32, #tpu.memory_space<hbm>> -> memref<25x1x8x64xi32, #tpu.memory_space<hbm>>
      %dma_start3A_67 = tpu.memref_squeeze %dma_start3A_66 : memref<25x1x8x64xi32, #tpu.memory_space<hbm>> -> memref<25x8x64xi32, #tpu.memory_space<hbm>>
      %dma_start3A_68 = arith.constant 0 : i32
      %dma_start3A_69 = arith.constant 0 : i32
      %dma_start3A_70 = arith.constant 0 : i32
      %dma_start3A_71 = tpu.memref_slice %arg3[%dma_start3A_68, %add3A_62, %dma_start3A_69, %dma_start3A_70] : memref<25x32x8x128xi32, #tpu.memory_space<hbm>> -> memref<25x1x8x64xi32, #tpu.memory_space<hbm>>
      %dma_start3A_72 = tpu.memref_squeeze %dma_start3A_71 : memref<25x1x8x64xi32, #tpu.memory_space<hbm>> -> memref<25x8x64xi32, #tpu.memory_space<hbm>>
      tpu.enqueue_dma source(%dma_start3A_72 : memref<25x8x64xi32, #tpu.memory_space<hbm>>) target(%arg6 : memref<25x8x64xi32, #tpu.memory_space<vmem>>) target_semaphore(%arg10 : memref<!tpu.dma_semaphore, #tpu.memory_space<semaphore_mem>>)
      %scan3A_73 = arith.constant 0 : i32
      %scan3A_74 = arith.constant 4 : i32
      %scan3A_75 = arith.addi %scan3A_73, %scan3A_74 : i32
      %scan3A_76 = arith.constant 1 : i32
      scf.for %scan3A_140 = %scan3A_73 to %scan3A_75 step %scan3A_76  : i32 {
        %broadcast_in_dim3A = arith.constant 0.000000e+00 : f32
        %broadcast_in_dim3A_141 = vector.broadcast %broadcast_in_dim3A : f32 to vector<16xf32>
        %scan3A_142 = arith.constant 0 : i32
        %scan3A_143 = arith.constant 25 : i32
        %scan3A_144 = arith.addi %scan3A_142, %scan3A_143 : i32
        %scan3A_145 = arith.constant 1 : i32
        %scan3A_146 = scf.for %scan3A_158 = %scan3A_142 to %scan3A_144 step %scan3A_145 iter_args(%scan3A_159 = %broadcast_in_dim3A_141) -> (vector<16xf32>)  : i32 {
          %mul3A_160 = arith.constant 16 : i32
          %mul3A_161 = arith.muli %scan3A_140, %mul3A_160 : i32
          %get3A = arith.constant 0 : i32
          %get3A_162 = arith.index_cast %scan3A_158 : i32 to index
          %get3A_163 = arith.index_cast %get3A : i32 to index
          %get3A_164 = arith.index_cast %mul3A_161 : i32 to index
          %get3A_165 = tpu.vector_load %arg7[%get3A_162, %get3A_163, %get3A_164] {strides = array<i32>} : memref<25x8x64xi32, #tpu.memory_space<vmem>>, vector<16xi32>,
          %gather3A = tpu.vector_load_idx %arg5[%get3A_165] : memref<100000xf32, #tpu.memory_space<vmem>>[vector<16xi32>], vector<16xf32>,
          %add3A_166 = arith.addf %scan3A_159, %gather3A : vector<16xf32>
          %mul3A_167 = arith.constant 16 : i32
          %mul3A_168 = arith.muli %scan3A_140, %mul3A_167 : i32
          %get3A_169 = arith.constant 1 : i32
          %get3A_170 = arith.index_cast %scan3A_158 : i32 to index
          %get3A_171 = arith.index_cast %get3A_169 : i32 to index
          %get3A_172 = arith.index_cast %mul3A_168 : i32 to index
          %get3A_173 = tpu.vector_load %arg7[%get3A_170, %get3A_171, %get3A_172] {strides = array<i32>} : memref<25x8x64xi32, #tpu.memory_space<vmem>>, vector<16xi32>,
          %gather3A_174 = tpu.vector_load_idx %arg5[%get3A_173] : memref<100000xf32, #tpu.memory_space<vmem>>[vector<16xi32>], vector<16xf32>,
          %add3A_175 = arith.addf %add3A_166, %gather3A_174 : vector<16xf32>
          %mul3A_176 = arith.constant 16 : i32
          %mul3A_177 = arith.muli %scan3A_140, %mul3A_176 : i32
          %get3A_178 = arith.constant 2 : i32
          %get3A_179 = arith.index_cast %scan3A_158 : i32 to index
          %get3A_180 = arith.index_cast %get3A_178 : i32 to index
          %get3A_181 = arith.index_cast %mul3A_177 : i32 to index
          %get3A_182 = tpu.vector_load %arg7[%get3A_179, %get3A_180, %get3A_181] {strides = array<i32>} : memref<25x8x64xi32, #tpu.memory_space<vmem>>, vector<16xi32>,
          %gather3A_183 = tpu.vector_load_idx %arg5[%get3A_182] : memref<100000xf32, #tpu.memory_space<vmem>>[vector<16xi32>], vector<16xf32>,
          %add3A_184 = arith.addf %add3A_175, %gather3A_183 : vector<16xf32>
          %mul3A_185 = arith.constant 16 : i32
          %mul3A_186 = arith.muli %scan3A_140, %mul3A_185 : i32
          %get3A_187 = arith.constant 3 : i32
          %get3A_188 = arith.index_cast %scan3A_158 : i32 to index
          %get3A_189 = arith.index_cast %get3A_187 : i32 to index
          %get3A_190 = arith.index_cast %mul3A_186 : i32 to index
          %get3A_191 = tpu.vector_load %arg7[%get3A_188, %get3A_189, %get3A_190] {strides = array<i32>} : memref<25x8x64xi32, #tpu.memory_space<vmem>>, vector<16xi32>,
          %gather3A_192 = tpu.vector_load_idx %arg5[%get3A_191] : memref<100000xf32, #tpu.memory_space<vmem>>[vector<16xi32>], vector<16xf32>,
          %add3A_193 = arith.addf %add3A_184, %gather3A_192 : vector<16xf32>
          %mul3A_194 = arith.constant 16 : i32
          %mul3A_195 = arith.muli %scan3A_140, %mul3A_194 : i32
          %get3A_196 = arith.constant 4 : i32
          %get3A_197 = arith.index_cast %scan3A_158 : i32 to index
          %get3A_198 = arith.index_cast %get3A_196 : i32 to index
          %get3A_199 = arith.index_cast %mul3A_195 : i32 to index
          %get3A_200 = tpu.vector_load %arg7[%get3A_197, %get3A_198, %get3A_199] {strides = array<i32>} : memref<25x8x64xi32, #tpu.memory_space<vmem>>, vector<16xi32>,
          %gather3A_201 = tpu.vector_load_idx %arg5[%get3A_200] : memref<100000xf32, #tpu.memory_space<vmem>>[vector<16xi32>], vector<16xf32>,
          %add3A_202 = arith.addf %add3A_193, %gather3A_201 : vector<16xf32>
          %mul3A_203 = arith.constant 16 : i32
          %mul3A_204 = arith.muli %scan3A_140, %mul3A_203 : i32
          %get3A_205 = arith.constant 5 : i32
          %get3A_206 = arith.index_cast %scan3A_158 : i32 to index
          %get3A_207 = arith.index_cast %get3A_205 : i32 to index
          %get3A_208 = arith.index_cast %mul3A_204 : i32 to index
          %get3A_209 = tpu.vector_load %arg7[%get3A_206, %get3A_207, %get3A_208] {strides = array<i32>} : memref<25x8x64xi32, #tpu.memory_space<vmem>>, vector<16xi32>,
          %gather3A_210 = tpu.vector_load_idx %arg5[%get3A_209] : memref<100000xf32, #tpu.memory_space<vmem>>[vector<16xi32>], vector<16xf32>,
          %add3A_211 = arith.addf %add3A_202, %gather3A_210 : vector<16xf32>
          %mul3A_212 = arith.constant 16 : i32
          %mul3A_213 = arith.muli %scan3A_140, %mul3A_212 : i32
          %get3A_214 = arith.constant 6 : i32
          %get3A_215 = arith.index_cast %scan3A_158 : i32 to index
          %get3A_216 = arith.index_cast %get3A_214 : i32 to index
          %get3A_217 = arith.index_cast %mul3A_213 : i32 to index
          %get3A_218 = tpu.vector_load %arg7[%get3A_215, %get3A_216, %get3A_217] {strides = array<i32>} : memref<25x8x64xi32, #tpu.memory_space<vmem>>, vector<16xi32>,
          %gather3A_219 = tpu.vector_load_idx %arg5[%get3A_218] : memref<100000xf32, #tpu.memory_space<vmem>>[vector<16xi32>], vector<16xf32>,
          %add3A_220 = arith.addf %add3A_211, %gather3A_219 : vector<16xf32>
          %mul3A_221 = arith.constant 16 : i32
          %mul3A_222 = arith.muli %scan3A_140, %mul3A_221 : i32
          %get3A_223 = arith.constant 7 : i32
          %get3A_224 = arith.index_cast %scan3A_158 : i32 to index
          %get3A_225 = arith.index_cast %get3A_223 : i32 to index
          %get3A_226 = arith.index_cast %mul3A_222 : i32 to index
          %get3A_227 = tpu.vector_load %arg7[%get3A_224, %get3A_225, %get3A_226] {strides = array<i32>} : memref<25x8x64xi32, #tpu.memory_space<vmem>>, vector<16xi32>,
          %gather3A_228 = tpu.vector_load_idx %arg5[%get3A_227] : memref<100000xf32, #tpu.memory_space<vmem>>[vector<16xi32>], vector<16xf32>,
          %add3A_229 = arith.addf %add3A_220, %gather3A_228 : vector<16xf32>
          scf.yield %add3A_229 : vector<16xf32>
        }
        %scan3A_147 = arith.constant 25 : i32
        %neg3A = arith.constant 0.000000e+00 : f32
        %neg3A_148 = vector.broadcast %neg3A : f32 to vector<16xf32>
        %neg3A_149 = arith.subf %neg3A_148, %scan3A_146 : vector<16xf32>
        %exp3A = math.exp %neg3A_149 : vector<16xf32>
        %add3A_150 = arith.constant 1.000000e+00 : f32
        %add3A_151 = vector.broadcast %add3A_150 : f32 to vector<16xf32>
        %add3A_152 = arith.addf %add3A_151, %exp3A : vector<16xf32>
        %div3A = arith.constant 1.000000e+00 : f32
        %div3A_153 = vector.broadcast %div3A : f32 to vector<16xf32>
        %div3A_154 = arith.divf %div3A_153, %add3A_152 : vector<16xf32>
        %mul3A_155 = arith.constant 16 : i32
        %mul3A_156 = arith.muli %scan3A_140, %mul3A_155 : i32
        %swap3A = arith.index_cast %mul3A_156 : i32 to index
        %swap3A_157 = tpu.vector_load %arg8[%swap3A] {strides = array<i32>} : memref<64xf32, #tpu.memory_space<vmem>>, vector<16xf32>,
        tpu.vector_store %arg8[%swap3A], %div3A_154 {strides = array<i32>} : memref<64xf32, #tpu.memory_space<vmem>>, vector<16xf32>,
      }
      %scan3A_77 = arith.constant 4 : i32
      %mul3A_78 = arith.constant 2 : i32
      %mul3A_79 = arith.muli %mul3A_78, %add3A : i32
      %mul3A_80 = arith.constant 128 : i32
      %mul3A_81 = arith.muli %mul3A_79, %mul3A_80 : i32
      %add3A_82 = arith.constant 64 : i32
      %add3A_83 = arith.addi %mul3A_81, %add3A_82 : i32
      "tpu.region"() ({
        %run_scoped3A = tpu.sem_alloc : memref<!tpu.dma_semaphore, #tpu.memory_space<semaphore_mem>>
        %dma_start3A_140 = tpu.memref_slice %arg4[%add3A_83] : memref<4096xf32, #tpu.memory_space<hbm>> -> memref<64xf32, #tpu.memory_space<hbm>>
        %dma_start3A_141 = tpu.memref_slice %arg4[%add3A_83] : memref<4096xf32, #tpu.memory_space<hbm>> -> memref<64xf32, #tpu.memory_space<hbm>>
        tpu.enqueue_dma source(%arg8 : memref<64xf32, #tpu.memory_space<vmem>>) target(%dma_start3A_141 : memref<64xf32, #tpu.memory_space<hbm>>) target_semaphore(%run_scoped3A : memref<!tpu.dma_semaphore, #tpu.memory_space<semaphore_mem>>)
        %dma_wait3A_142 = tpu.memref_slice %arg4[%add3A_83] : memref<4096xf32, #tpu.memory_space<hbm>> -> memref<64xf32, #tpu.memory_space<hbm>>
        %dma_wait3A_143 = tpu.memref_slice %arg4[%add3A_83] : memref<4096xf32, #tpu.memory_space<hbm>> -> memref<64xf32, #tpu.memory_space<hbm>>
        tpu.wait_dma2 semaphore(%run_scoped3A : memref<!tpu.dma_semaphore, #tpu.memory_space<semaphore_mem>>) src(%arg8 : memref<64xf32, #tpu.memory_space<vmem>>) dst(%dma_wait3A_143 : memref<64xf32, #tpu.memory_space<hbm>>)
        tpu.yield
      }) : () -> ()
      %dma_wait3A_84 = arith.constant 0 : i32
      %dma_wait3A_85 = arith.constant 0 : i32
      %dma_wait3A_86 = arith.constant 0 : i32
      %dma_wait3A_87 = tpu.memref_slice %arg3[%dma_wait3A_84, %add3A_62, %dma_wait3A_85, %dma_wait3A_86] : memref<25x32x8x128xi32, #tpu.memory_space<hbm>> -> memref<25x1x8x64xi32, #tpu.memory_space<hbm>>
      %dma_wait3A_88 = tpu.memref_squeeze %dma_wait3A_87 : memref<25x1x8x64xi32, #tpu.memory_space<hbm>> -> memref<25x8x64xi32, #tpu.memory_space<hbm>>
      %dma_wait3A_89 = arith.constant 0 : i32
      %dma_wait3A_90 = arith.constant 0 : i32
      %dma_wait3A_91 = arith.constant 0 : i32
      %dma_wait3A_92 = tpu.memref_slice %arg3[%dma_wait3A_89, %add3A_62, %dma_wait3A_90, %dma_wait3A_91] : memref<25x32x8x128xi32, #tpu.memory_space<hbm>> -> memref<25x1x8x64xi32, #tpu.memory_space<hbm>>
      %dma_wait3A_93 = tpu.memref_squeeze %dma_wait3A_92 : memref<25x1x8x64xi32, #tpu.memory_space<hbm>> -> memref<25x8x64xi32, #tpu.memory_space<hbm>>
      tpu.wait_dma2 semaphore(%arg10 : memref<!tpu.dma_semaphore, #tpu.memory_space<semaphore_mem>>) src(%dma_wait3A_93 : memref<25x8x64xi32, #tpu.memory_space<hbm>>) dst(%arg6 : memref<25x8x64xi32, #tpu.memory_space<vmem>>)
      %mul3A_94 = arith.constant 2 : i32
      %mul3A_95 = arith.muli %mul3A_94, %add3A : i32
      %add3A_96 = arith.constant 1 : i32
      %add3A_97 = arith.addi %mul3A_95, %add3A_96 : i32
      %dma_start3A_98 = arith.constant 0 : i32
      %dma_start3A_99 = arith.constant 0 : i32
      %dma_start3A_100 = arith.constant 64 : i32
      %dma_start3A_101 = tpu.memref_slice %arg3[%dma_start3A_98, %add3A_97, %dma_start3A_99, %dma_start3A_100] : memref<25x32x8x128xi32, #tpu.memory_space<hbm>> -> memref<25x1x8x64xi32, #tpu.memory_space<hbm>>
      %dma_start3A_102 = tpu.memref_squeeze %dma_start3A_101 : memref<25x1x8x64xi32, #tpu.memory_space<hbm>> -> memref<25x8x64xi32, #tpu.memory_space<hbm>>
      %dma_start3A_103 = arith.constant 0 : i32
      %dma_start3A_104 = arith.constant 0 : i32
      %dma_start3A_105 = arith.constant 64 : i32
      %dma_start3A_106 = tpu.memref_slice %arg3[%dma_start3A_103, %add3A_97, %dma_start3A_104, %dma_start3A_105] : memref<25x32x8x128xi32, #tpu.memory_space<hbm>> -> memref<25x1x8x64xi32, #tpu.memory_space<hbm>>
      %dma_start3A_107 = tpu.memref_squeeze %dma_start3A_106 : memref<25x1x8x64xi32, #tpu.memory_space<hbm>> -> memref<25x8x64xi32, #tpu.memory_space<hbm>>
      tpu.enqueue_dma source(%dma_start3A_107 : memref<25x8x64xi32, #tpu.memory_space<hbm>>) target(%arg7 : memref<25x8x64xi32, #tpu.memory_space<vmem>>) target_semaphore(%arg10 : memref<!tpu.dma_semaphore, #tpu.memory_space<semaphore_mem>>)
      %scan3A_108 = arith.constant 0 : i32
      %scan3A_109 = arith.constant 4 : i32
      %scan3A_110 = arith.addi %scan3A_108, %scan3A_109 : i32
      %scan3A_111 = arith.constant 1 : i32
      scf.for %scan3A_140 = %scan3A_108 to %scan3A_110 step %scan3A_111  : i32 {
        %broadcast_in_dim3A = arith.constant 0.000000e+00 : f32
        %broadcast_in_dim3A_141 = vector.broadcast %broadcast_in_dim3A : f32 to vector<16xf32>
        %scan3A_142 = arith.constant 0 : i32
        %scan3A_143 = arith.constant 25 : i32
        %scan3A_144 = arith.addi %scan3A_142, %scan3A_143 : i32
        %scan3A_145 = arith.constant 1 : i32
        %scan3A_146 = scf.for %scan3A_158 = %scan3A_142 to %scan3A_144 step %scan3A_145 iter_args(%scan3A_159 = %broadcast_in_dim3A_141) -> (vector<16xf32>)  : i32 {
          %mul3A_160 = arith.constant 16 : i32
          %mul3A_161 = arith.muli %scan3A_140, %mul3A_160 : i32
          %get3A = arith.constant 0 : i32
          %get3A_162 = arith.index_cast %scan3A_158 : i32 to index
          %get3A_163 = arith.index_cast %get3A : i32 to index
          %get3A_164 = arith.index_cast %mul3A_161 : i32 to index
          %get3A_165 = tpu.vector_load %arg6[%get3A_162, %get3A_163, %get3A_164] {strides = array<i32>} : memref<25x8x64xi32, #tpu.memory_space<vmem>>, vector<16xi32>,
          %gather3A = tpu.vector_load_idx %arg5[%get3A_165] : memref<100000xf32, #tpu.memory_space<vmem>>[vector<16xi32>], vector<16xf32>,
          %add3A_166 = arith.addf %scan3A_159, %gather3A : vector<16xf32>
          %mul3A_167 = arith.constant 16 : i32
          %mul3A_168 = arith.muli %scan3A_140, %mul3A_167 : i32
          %get3A_169 = arith.constant 1 : i32
          %get3A_170 = arith.index_cast %scan3A_158 : i32 to index
          %get3A_171 = arith.index_cast %get3A_169 : i32 to index
          %get3A_172 = arith.index_cast %mul3A_168 : i32 to index
          %get3A_173 = tpu.vector_load %arg6[%get3A_170, %get3A_171, %get3A_172] {strides = array<i32>} : memref<25x8x64xi32, #tpu.memory_space<vmem>>, vector<16xi32>,
          %gather3A_174 = tpu.vector_load_idx %arg5[%get3A_173] : memref<100000xf32, #tpu.memory_space<vmem>>[vector<16xi32>], vector<16xf32>,
          %add3A_175 = arith.addf %add3A_166, %gather3A_174 : vector<16xf32>
          %mul3A_176 = arith.constant 16 : i32
          %mul3A_177 = arith.muli %scan3A_140, %mul3A_176 : i32
          %get3A_178 = arith.constant 2 : i32
          %get3A_179 = arith.index_cast %scan3A_158 : i32 to index
          %get3A_180 = arith.index_cast %get3A_178 : i32 to index
          %get3A_181 = arith.index_cast %mul3A_177 : i32 to index
          %get3A_182 = tpu.vector_load %arg6[%get3A_179, %get3A_180, %get3A_181] {strides = array<i32>} : memref<25x8x64xi32, #tpu.memory_space<vmem>>, vector<16xi32>,
          %gather3A_183 = tpu.vector_load_idx %arg5[%get3A_182] : memref<100000xf32, #tpu.memory_space<vmem>>[vector<16xi32>], vector<16xf32>,
          %add3A_184 = arith.addf %add3A_175, %gather3A_183 : vector<16xf32>
          %mul3A_185 = arith.constant 16 : i32
          %mul3A_186 = arith.muli %scan3A_140, %mul3A_185 : i32
          %get3A_187 = arith.constant 3 : i32
          %get3A_188 = arith.index_cast %scan3A_158 : i32 to index
          %get3A_189 = arith.index_cast %get3A_187 : i32 to index
          %get3A_190 = arith.index_cast %mul3A_186 : i32 to index
          %get3A_191 = tpu.vector_load %arg6[%get3A_188, %get3A_189, %get3A_190] {strides = array<i32>} : memref<25x8x64xi32, #tpu.memory_space<vmem>>, vector<16xi32>,
          %gather3A_192 = tpu.vector_load_idx %arg5[%get3A_191] : memref<100000xf32, #tpu.memory_space<vmem>>[vector<16xi32>], vector<16xf32>,
          %add3A_193 = arith.addf %add3A_184, %gather3A_192 : vector<16xf32>
          %mul3A_194 = arith.constant 16 : i32
          %mul3A_195 = arith.muli %scan3A_140, %mul3A_194 : i32
          %get3A_196 = arith.constant 4 : i32
          %get3A_197 = arith.index_cast %scan3A_158 : i32 to index
          %get3A_198 = arith.index_cast %get3A_196 : i32 to index
          %get3A_199 = arith.index_cast %mul3A_195 : i32 to index
          %get3A_200 = tpu.vector_load %arg6[%get3A_197, %get3A_198, %get3A_199] {strides = array<i32>} : memref<25x8x64xi32, #tpu.memory_space<vmem>>, vector<16xi32>,
          %gather3A_201 = tpu.vector_load_idx %arg5[%get3A_200] : memref<100000xf32, #tpu.memory_space<vmem>>[vector<16xi32>], vector<16xf32>,
          %add3A_202 = arith.addf %add3A_193, %gather3A_201 : vector<16xf32>
          %mul3A_203 = arith.constant 16 : i32
          %mul3A_204 = arith.muli %scan3A_140, %mul3A_203 : i32
          %get3A_205 = arith.constant 5 : i32
          %get3A_206 = arith.index_cast %scan3A_158 : i32 to index
          %get3A_207 = arith.index_cast %get3A_205 : i32 to index
          %get3A_208 = arith.index_cast %mul3A_204 : i32 to index
          %get3A_209 = tpu.vector_load %arg6[%get3A_206, %get3A_207, %get3A_208] {strides = array<i32>} : memref<25x8x64xi32, #tpu.memory_space<vmem>>, vector<16xi32>,
          %gather3A_210 = tpu.vector_load_idx %arg5[%get3A_209] : memref<100000xf32, #tpu.memory_space<vmem>>[vector<16xi32>], vector<16xf32>,
          %add3A_211 = arith.addf %add3A_202, %gather3A_210 : vector<16xf32>
          %mul3A_212 = arith.constant 16 : i32
          %mul3A_213 = arith.muli %scan3A_140, %mul3A_212 : i32
          %get3A_214 = arith.constant 6 : i32
          %get3A_215 = arith.index_cast %scan3A_158 : i32 to index
          %get3A_216 = arith.index_cast %get3A_214 : i32 to index
          %get3A_217 = arith.index_cast %mul3A_213 : i32 to index
          %get3A_218 = tpu.vector_load %arg6[%get3A_215, %get3A_216, %get3A_217] {strides = array<i32>} : memref<25x8x64xi32, #tpu.memory_space<vmem>>, vector<16xi32>,
          %gather3A_219 = tpu.vector_load_idx %arg5[%get3A_218] : memref<100000xf32, #tpu.memory_space<vmem>>[vector<16xi32>], vector<16xf32>,
          %add3A_220 = arith.addf %add3A_211, %gather3A_219 : vector<16xf32>
          %mul3A_221 = arith.constant 16 : i32
          %mul3A_222 = arith.muli %scan3A_140, %mul3A_221 : i32
          %get3A_223 = arith.constant 7 : i32
          %get3A_224 = arith.index_cast %scan3A_158 : i32 to index
          %get3A_225 = arith.index_cast %get3A_223 : i32 to index
          %get3A_226 = arith.index_cast %mul3A_222 : i32 to index
          %get3A_227 = tpu.vector_load %arg6[%get3A_224, %get3A_225, %get3A_226] {strides = array<i32>} : memref<25x8x64xi32, #tpu.memory_space<vmem>>, vector<16xi32>,
          %gather3A_228 = tpu.vector_load_idx %arg5[%get3A_227] : memref<100000xf32, #tpu.memory_space<vmem>>[vector<16xi32>], vector<16xf32>,
          %add3A_229 = arith.addf %add3A_220, %gather3A_228 : vector<16xf32>
          scf.yield %add3A_229 : vector<16xf32>
        }
        %scan3A_147 = arith.constant 25 : i32
        %neg3A = arith.constant 0.000000e+00 : f32
        %neg3A_148 = vector.broadcast %neg3A : f32 to vector<16xf32>
        %neg3A_149 = arith.subf %neg3A_148, %scan3A_146 : vector<16xf32>
        %exp3A = math.exp %neg3A_149 : vector<16xf32>
        %add3A_150 = arith.constant 1.000000e+00 : f32
        %add3A_151 = vector.broadcast %add3A_150 : f32 to vector<16xf32>
        %add3A_152 = arith.addf %add3A_151, %exp3A : vector<16xf32>
        %div3A = arith.constant 1.000000e+00 : f32
        %div3A_153 = vector.broadcast %div3A : f32 to vector<16xf32>
        %div3A_154 = arith.divf %div3A_153, %add3A_152 : vector<16xf32>
        %mul3A_155 = arith.constant 16 : i32
        %mul3A_156 = arith.muli %scan3A_140, %mul3A_155 : i32
        %swap3A = arith.index_cast %mul3A_156 : i32 to index
        %swap3A_157 = tpu.vector_load %arg8[%swap3A] {strides = array<i32>} : memref<64xf32, #tpu.memory_space<vmem>>, vector<16xf32>,
        tpu.vector_store %arg8[%swap3A], %div3A_154 {strides = array<i32>} : memref<64xf32, #tpu.memory_space<vmem>>, vector<16xf32>,
      }
      %scan3A_112 = arith.constant 4 : i32
      %mul3A_113 = arith.constant 2 : i32
      %mul3A_114 = arith.muli %mul3A_113, %add3A : i32
      %mul3A_115 = arith.constant 128 : i32
      %mul3A_116 = arith.muli %mul3A_114, %mul3A_115 : i32
      %add3A_117 = arith.constant 128 : i32
      %add3A_118 = arith.addi %mul3A_116, %add3A_117 : i32
      "tpu.region"() ({
        %run_scoped3A = tpu.sem_alloc : memref<!tpu.dma_semaphore, #tpu.memory_space<semaphore_mem>>
        %dma_start3A_140 = tpu.memref_slice %arg4[%add3A_118] : memref<4096xf32, #tpu.memory_space<hbm>> -> memref<64xf32, #tpu.memory_space<hbm>>
        %dma_start3A_141 = tpu.memref_slice %arg4[%add3A_118] : memref<4096xf32, #tpu.memory_space<hbm>> -> memref<64xf32, #tpu.memory_space<hbm>>
        tpu.enqueue_dma source(%arg8 : memref<64xf32, #tpu.memory_space<vmem>>) target(%dma_start3A_141 : memref<64xf32, #tpu.memory_space<hbm>>) target_semaphore(%run_scoped3A : memref<!tpu.dma_semaphore, #tpu.memory_space<semaphore_mem>>)
        %dma_wait3A_142 = tpu.memref_slice %arg4[%add3A_118] : memref<4096xf32, #tpu.memory_space<hbm>> -> memref<64xf32, #tpu.memory_space<hbm>>
        %dma_wait3A_143 = tpu.memref_slice %arg4[%add3A_118] : memref<4096xf32, #tpu.memory_space<hbm>> -> memref<64xf32, #tpu.memory_space<hbm>>
        tpu.wait_dma2 semaphore(%run_scoped3A : memref<!tpu.dma_semaphore, #tpu.memory_space<semaphore_mem>>) src(%arg8 : memref<64xf32, #tpu.memory_space<vmem>>) dst(%dma_wait3A_143 : memref<64xf32, #tpu.memory_space<hbm>>)
        tpu.yield
      }) : () -> ()
      %dma_wait3A_119 = arith.constant 0 : i32
      %dma_wait3A_120 = arith.constant 0 : i32
      %dma_wait3A_121 = arith.constant 64 : i32
      %dma_wait3A_122 = tpu.memref_slice %arg3[%dma_wait3A_119, %add3A_97, %dma_wait3A_120, %dma_wait3A_121] : memref<25x32x8x128xi32, #tpu.memory_space<hbm>> -> memref<25x1x8x64xi32, #tpu.memory_space<hbm>>
      %dma_wait3A_123 = tpu.memref_squeeze %dma_wait3A_122 : memref<25x1x8x64xi32, #tpu.memory_space<hbm>> -> memref<25x8x64xi32, #tpu.memory_space<hbm>>
      %dma_wait3A_124 = arith.constant 0 : i32
      %dma_wait3A_125 = arith.constant 0 : i32
      %dma_wait3A_126 = arith.constant 64 : i32
      %dma_wait3A_127 = tpu.memref_slice %arg3[%dma_wait3A_124, %add3A_97, %dma_wait3A_125, %dma_wait3A_126] : memref<25x32x8x128xi32, #tpu.memory_space<hbm>> -> memref<25x1x8x64xi32, #tpu.memory_space<hbm>>
      %dma_wait3A_128 = tpu.memref_squeeze %dma_wait3A_127 : memref<25x1x8x64xi32, #tpu.memory_space<hbm>> -> memref<25x8x64xi32, #tpu.memory_space<hbm>>
      tpu.wait_dma2 semaphore(%arg10 : memref<!tpu.dma_semaphore, #tpu.memory_space<semaphore_mem>>) src(%dma_wait3A_128 : memref<25x8x64xi32, #tpu.memory_space<hbm>>) dst(%arg7 : memref<25x8x64xi32, #tpu.memory_space<vmem>>)
      %scan3A_129 = arith.constant 0 : i32
      %scan3A_130 = arith.constant 4 : i32
      %scan3A_131 = arith.addi %scan3A_129, %scan3A_130 : i32
      %scan3A_132 = arith.constant 1 : i32
      scf.for %scan3A_140 = %scan3A_129 to %scan3A_131 step %scan3A_132  : i32 {
        %broadcast_in_dim3A = arith.constant 0.000000e+00 : f32
        %broadcast_in_dim3A_141 = vector.broadcast %broadcast_in_dim3A : f32 to vector<16xf32>
        %scan3A_142 = arith.constant 0 : i32
        %scan3A_143 = arith.constant 25 : i32
        %scan3A_144 = arith.addi %scan3A_142, %scan3A_143 : i32
        %scan3A_145 = arith.constant 1 : i32
        %scan3A_146 = scf.for %scan3A_158 = %scan3A_142 to %scan3A_144 step %scan3A_145 iter_args(%scan3A_159 = %broadcast_in_dim3A_141) -> (vector<16xf32>)  : i32 {
          %mul3A_160 = arith.constant 16 : i32
          %mul3A_161 = arith.muli %scan3A_140, %mul3A_160 : i32
          %get3A = arith.constant 0 : i32
          %get3A_162 = arith.index_cast %scan3A_158 : i32 to index
          %get3A_163 = arith.index_cast %get3A : i32 to index
          %get3A_164 = arith.index_cast %mul3A_161 : i32 to index
          %get3A_165 = tpu.vector_load %arg7[%get3A_162, %get3A_163, %get3A_164] {strides = array<i32>} : memref<25x8x64xi32, #tpu.memory_space<vmem>>, vector<16xi32>,
          %gather3A = tpu.vector_load_idx %arg5[%get3A_165] : memref<100000xf32, #tpu.memory_space<vmem>>[vector<16xi32>], vector<16xf32>,
          %add3A_166 = arith.addf %scan3A_159, %gather3A : vector<16xf32>
          %mul3A_167 = arith.constant 16 : i32
          %mul3A_168 = arith.muli %scan3A_140, %mul3A_167 : i32
          %get3A_169 = arith.constant 1 : i32
          %get3A_170 = arith.index_cast %scan3A_158 : i32 to index
          %get3A_171 = arith.index_cast %get3A_169 : i32 to index
          %get3A_172 = arith.index_cast %mul3A_168 : i32 to index
          %get3A_173 = tpu.vector_load %arg7[%get3A_170, %get3A_171, %get3A_172] {strides = array<i32>} : memref<25x8x64xi32, #tpu.memory_space<vmem>>, vector<16xi32>,
          %gather3A_174 = tpu.vector_load_idx %arg5[%get3A_173] : memref<100000xf32, #tpu.memory_space<vmem>>[vector<16xi32>], vector<16xf32>,
          %add3A_175 = arith.addf %add3A_166, %gather3A_174 : vector<16xf32>
          %mul3A_176 = arith.constant 16 : i32
          %mul3A_177 = arith.muli %scan3A_140, %mul3A_176 : i32
          %get3A_178 = arith.constant 2 : i32
          %get3A_179 = arith.index_cast %scan3A_158 : i32 to index
          %get3A_180 = arith.index_cast %get3A_178 : i32 to index
          %get3A_181 = arith.index_cast %mul3A_177 : i32 to index
          %get3A_182 = tpu.vector_load %arg7[%get3A_179, %get3A_180, %get3A_181] {strides = array<i32>} : memref<25x8x64xi32, #tpu.memory_space<vmem>>, vector<16xi32>,
          %gather3A_183 = tpu.vector_load_idx %arg5[%get3A_182] : memref<100000xf32, #tpu.memory_space<vmem>>[vector<16xi32>], vector<16xf32>,
          %add3A_184 = arith.addf %add3A_175, %gather3A_183 : vector<16xf32>
          %mul3A_185 = arith.constant 16 : i32
          %mul3A_186 = arith.muli %scan3A_140, %mul3A_185 : i32
          %get3A_187 = arith.constant 3 : i32
          %get3A_188 = arith.index_cast %scan3A_158 : i32 to index
          %get3A_189 = arith.index_cast %get3A_187 : i32 to index
          %get3A_190 = arith.index_cast %mul3A_186 : i32 to index
          %get3A_191 = tpu.vector_load %arg7[%get3A_188, %get3A_189, %get3A_190] {strides = array<i32>} : memref<25x8x64xi32, #tpu.memory_space<vmem>>, vector<16xi32>,
          %gather3A_192 = tpu.vector_load_idx %arg5[%get3A_191] : memref<100000xf32, #tpu.memory_space<vmem>>[vector<16xi32>], vector<16xf32>,
          %add3A_193 = arith.addf %add3A_184, %gather3A_192 : vector<16xf32>
          %mul3A_194 = arith.constant 16 : i32
          %mul3A_195 = arith.muli %scan3A_140, %mul3A_194 : i32
          %get3A_196 = arith.constant 4 : i32
          %get3A_197 = arith.index_cast %scan3A_158 : i32 to index
          %get3A_198 = arith.index_cast %get3A_196 : i32 to index
          %get3A_199 = arith.index_cast %mul3A_195 : i32 to index
          %get3A_200 = tpu.vector_load %arg7[%get3A_197, %get3A_198, %get3A_199] {strides = array<i32>} : memref<25x8x64xi32, #tpu.memory_space<vmem>>, vector<16xi32>,
          %gather3A_201 = tpu.vector_load_idx %arg5[%get3A_200] : memref<100000xf32, #tpu.memory_space<vmem>>[vector<16xi32>], vector<16xf32>,
          %add3A_202 = arith.addf %add3A_193, %gather3A_201 : vector<16xf32>
          %mul3A_203 = arith.constant 16 : i32
          %mul3A_204 = arith.muli %scan3A_140, %mul3A_203 : i32
          %get3A_205 = arith.constant 5 : i32
          %get3A_206 = arith.index_cast %scan3A_158 : i32 to index
          %get3A_207 = arith.index_cast %get3A_205 : i32 to index
          %get3A_208 = arith.index_cast %mul3A_204 : i32 to index
          %get3A_209 = tpu.vector_load %arg7[%get3A_206, %get3A_207, %get3A_208] {strides = array<i32>} : memref<25x8x64xi32, #tpu.memory_space<vmem>>, vector<16xi32>,
          %gather3A_210 = tpu.vector_load_idx %arg5[%get3A_209] : memref<100000xf32, #tpu.memory_space<vmem>>[vector<16xi32>], vector<16xf32>,
          %add3A_211 = arith.addf %add3A_202, %gather3A_210 : vector<16xf32>
          %mul3A_212 = arith.constant 16 : i32
          %mul3A_213 = arith.muli %scan3A_140, %mul3A_212 : i32
          %get3A_214 = arith.constant 6 : i32
          %get3A_215 = arith.index_cast %scan3A_158 : i32 to index
          %get3A_216 = arith.index_cast %get3A_214 : i32 to index
          %get3A_217 = arith.index_cast %mul3A_213 : i32 to index
          %get3A_218 = tpu.vector_load %arg7[%get3A_215, %get3A_216, %get3A_217] {strides = array<i32>} : memref<25x8x64xi32, #tpu.memory_space<vmem>>, vector<16xi32>,
          %gather3A_219 = tpu.vector_load_idx %arg5[%get3A_218] : memref<100000xf32, #tpu.memory_space<vmem>>[vector<16xi32>], vector<16xf32>,
          %add3A_220 = arith.addf %add3A_211, %gather3A_219 : vector<16xf32>
          %mul3A_221 = arith.constant 16 : i32
          %mul3A_222 = arith.muli %scan3A_140, %mul3A_221 : i32
          %get3A_223 = arith.constant 7 : i32
          %get3A_224 = arith.index_cast %scan3A_158 : i32 to index
          %get3A_225 = arith.index_cast %get3A_223 : i32 to index
          %get3A_226 = arith.index_cast %mul3A_222 : i32 to index
          %get3A_227 = tpu.vector_load %arg7[%get3A_224, %get3A_225, %get3A_226] {strides = array<i32>} : memref<25x8x64xi32, #tpu.memory_space<vmem>>, vector<16xi32>,
          %gather3A_228 = tpu.vector_load_idx %arg5[%get3A_227] : memref<100000xf32, #tpu.memory_space<vmem>>[vector<16xi32>], vector<16xf32>,
          %add3A_229 = arith.addf %add3A_220, %gather3A_228 : vector<16xf32>
          scf.yield %add3A_229 : vector<16xf32>
        }
        %scan3A_147 = arith.constant 25 : i32
        %neg3A = arith.constant 0.000000e+00 : f32
        %neg3A_148 = vector.broadcast %neg3A : f32 to vector<16xf32>
        %neg3A_149 = arith.subf %neg3A_148, %scan3A_146 : vector<16xf32>
        %exp3A = math.exp %neg3A_149 : vector<16xf32>
        %add3A_150 = arith.constant 1.000000e+00 : f32
        %add3A_151 = vector.broadcast %add3A_150 : f32 to vector<16xf32>
        %add3A_152 = arith.addf %add3A_151, %exp3A : vector<16xf32>
        %div3A = arith.constant 1.000000e+00 : f32
        %div3A_153 = vector.broadcast %div3A : f32 to vector<16xf32>
        %div3A_154 = arith.divf %div3A_153, %add3A_152 : vector<16xf32>
        %mul3A_155 = arith.constant 16 : i32
        %mul3A_156 = arith.muli %scan3A_140, %mul3A_155 : i32
        %swap3A = arith.index_cast %mul3A_156 : i32 to index
        %swap3A_157 = tpu.vector_load %arg8[%swap3A] {strides = array<i32>} : memref<64xf32, #tpu.memory_space<vmem>>, vector<16xf32>,
        tpu.vector_store %arg8[%swap3A], %div3A_154 {strides = array<i32>} : memref<64xf32, #tpu.memory_space<vmem>>, vector<16xf32>,
      }
      %scan3A_133 = arith.constant 4 : i32
      %mul3A_134 = arith.constant 2 : i32
      %mul3A_135 = arith.muli %mul3A_134, %add3A : i32
      %mul3A_136 = arith.constant 128 : i32
      %mul3A_137 = arith.muli %mul3A_135, %mul3A_136 : i32
      %add3A_138 = arith.constant 192 : i32
      %add3A_139 = arith.addi %mul3A_137, %add3A_138 : i32
      "tpu.region"() ({
        %run_scoped3A = tpu.sem_alloc : memref<!tpu.dma_semaphore, #tpu.memory_space<semaphore_mem>>
        %dma_start3A_140 = tpu.memref_slice %arg4[%add3A_139] : memref<4096xf32, #tpu.memory_space<hbm>> -> memref<64xf32, #tpu.memory_space<hbm>>
        %dma_start3A_141 = tpu.memref_slice %arg4[%add3A_139] : memref<4096xf32, #tpu.memory_space<hbm>> -> memref<64xf32, #tpu.memory_space<hbm>>
        tpu.enqueue_dma source(%arg8 : memref<64xf32, #tpu.memory_space<vmem>>) target(%dma_start3A_141 : memref<64xf32, #tpu.memory_space<hbm>>) target_semaphore(%run_scoped3A : memref<!tpu.dma_semaphore, #tpu.memory_space<semaphore_mem>>)
        %dma_wait3A_142 = tpu.memref_slice %arg4[%add3A_139] : memref<4096xf32, #tpu.memory_space<hbm>> -> memref<64xf32, #tpu.memory_space<hbm>>
        %dma_wait3A_143 = tpu.memref_slice %arg4[%add3A_139] : memref<4096xf32, #tpu.memory_space<hbm>> -> memref<64xf32, #tpu.memory_space<hbm>>
        tpu.wait_dma2 semaphore(%run_scoped3A : memref<!tpu.dma_semaphore, #tpu.memory_space<semaphore_mem>>) src(%arg8 : memref<64xf32, #tpu.memory_space<vmem>>) dst(%dma_wait3A_143 : memref<64xf32, #tpu.memory_space<hbm>>)
        tpu.yield
      }) : () -> ()
    } else {
    }
    return
  }
}

module attributes {stable_mosaic.version = 14 : i64} {
  func.func @_stage1_body(%arg0: i32, %arg1: memref<1xf32, #tpu.memory_space<smem>>, %arg2: memref<64x25600xf32, #tpu.memory_space<vmem>>, %arg3: memref<64x1xf32, #tpu.memory_space<vmem>>, %arg4: memref<25600xf32, #tpu.memory_space<vmem>>) attributes {dimension_semantics = [#tpu.dimension_semantics<arbitrary>], iteration_bounds = array<i64: 4>, scalar_prefetch = 0 : i64, scratch_operands = 0 : i64, tpu.core_type = #tpu.core_type<tc>, window_params = [{transform_indices = @transform_0, window_bounds = array<i64: 1>}, {transform_indices = @transform_1, window_bounds = array<i64: 64, 25600>}, {pipeline_mode = #tpu.pipeline_mode<synchronous>, transform_indices = @transform_2, window_bounds = array<i64: 64, 1>}, {transform_indices = @transform_3, window_bounds = array<i64: 25600>}]} {
    %get3A = arith.constant 0 : index
    %get3A_0 = arith.constant 0 : index
    %get3A_1 = vector.load %arg2[%get3A, %get3A_0] : memref<64x25600xf32, #tpu.memory_space<vmem>>, vector<64x25600xf32>
    %get3A_2 = arith.constant 0 : index
    %get3A_3 = arith.constant 0 : index
    %get3A_4 = vector.load %arg3[%get3A_2, %get3A_3] : memref<64x1xf32, #tpu.memory_space<vmem>>, vector<64x1xf32>
    %mul3A = vector.broadcast %get3A_4 : vector<64x1xf32> to vector<64x25600xf32>
    %mul3A_5 = arith.mulf %get3A_1, %mul3A : vector<64x25600xf32>
    %reduce_sum3A = arith.constant dense<0.000000e+00> : vector<25600xf32>
    %reduce_sum3A_6 = vector.multi_reduction <add>, %mul3A_5, %reduce_sum3A [0] : vector<64x25600xf32> to vector<25600xf32>
    %get3A_7 = arith.constant 0 : index
    %get3A_8 = memref.load %arg1[%get3A_7] : memref<1xf32, #tpu.memory_space<smem>>
    %add3A = vector.broadcast %get3A_8 : f32 to vector<25600xf32>
    %add3A_9 = arith.addf %reduce_sum3A_6, %add3A : vector<25600xf32>
    %swap3A = arith.constant 0 : index
    %swap3A_10 = vector.load %arg4[%swap3A] : memref<25600xf32, #tpu.memory_space<vmem>>, vector<25600xf32>
    tpu.vector_store %arg4[%swap3A], %add3A_9 {strides = array<i32>} : memref<25600xf32, #tpu.memory_space<vmem>>, vector<25600xf32>,
    return
  }
  func.func @transform_0(%arg0: i32) -> i32 {
    %c0_i32 = arith.constant 0 : i32
    %c0_i32_0 = arith.constant 0 : i32
    return %c0_i32 : i32
  }
  func.func @transform_1(%arg0: i32) -> (i32, i32) {
    %c0_i32 = arith.constant 0 : i32
    %c0_i32_0 = arith.constant 0 : i32
    return %c0_i32, %arg0 : i32, i32
  }
  func.func @transform_2(%arg0: i32) -> (i32, i32) {
    %c0_i32 = arith.constant 0 : i32
    %c0_i32_0 = arith.constant 0 : i32
    %c0_i32_1 = arith.constant 0 : i32
    return %c0_i32, %c0_i32_0 : i32, i32
  }
  func.func @transform_3(%arg0: i32) -> i32 {
    %c0_i32 = arith.constant 0 : i32
    return %arg0 : i32
  }
}

</mosaic_0001>

<sc_bundles>
// kernel: kernel.4.cloned.1.call-start
scs
__scs_entry_jumppad:
0x0: {  	(pc) =	sbr.rel $0x88, $3  }
0x1: {  	(tag) =	ssettag $0x0;
	lr =	simm.s32 $0x1  }
0x2: {  	[smem:$0x3F9D] =	sst lr;
	_ =	strace $0xD0000000  }
0x3: {  	_ = 	snop  }
0x4: {  	_ = 	snop  }
0x5: {  	_ = 	snop  }
0x6: {  	_ = 	snop  }
0x7: {  	_ = 	snop  }
__scs_overlays_trampoline_lowered:
0x8: {  	[smem:$0x3FAC] =	sst s0  }
0x9: {  	[smem:$0x3FAD] =	sst s1  }
0xa: {  	[smem:$0x3FAE] =	sst s2  }
0xb: {  	[smem:$0x3FAF] =	sst s3  }
0xc: {  	[smem:$0x3FB0] =	sst s4  }
0xd: {  	[smem:$0x3FB1] =	sst s5  }
0xe: {  	[smem:$0x3FB2] =	sst s6  }
0xf: {  	[smem:$0x3FB3] =	sst s7  }
0x10: {  	[smem:$0x3FB4] =	sst s8  }
0x11: {  	[smem:$0x3FB5] =	sst s9;
	s0 =	simm.s32 @!p0 $0x0  }
0x12: {  	s1 =	sld [smem:$0x3F9B];
	s0 =	simm.s32 @p0 $0x1  }
0x13: {  	[smem:$0x3FB6] =	sst s0;
	s0 =	simm.s32 @!p1 $0x0  }
0x14: {  	s2 =	sld [smem:$0x3F9A];
	s0 =	simm.s32 @p1 $0x1  }
0x15: {  	[smem:$0x3FB7] =	sst s0;
	s0 =	simm.s32 @!p2 $0x0  }
0x16: {  	s3 =	sld [smem:$0x3FDB];
	s0 =	simm.s32 @p2 $0x1  }
0x17: {  	s4 =	simm.s32 $0x1BF5;
	[smem:$0x3FB9] =	sst s0  }
0x18: {  	s0 =	sld [smem:$0x3F9C];
	_ =	swait.ge [sflag:s4], $0x0  }
0x19: {  	s7 =	sld [smem:$0x3F9D]  }
0x1a: {  	s8 =	sadd.s32 $0xFFFFE003, lr  }
0x1b: {  	s9 =	sadd.s32 $0xFFFFFEF7, lr;
	s5 =	simm.s32 $0xFFFFFFFF;
	p2 =	slt.u32 s8, $0xFFFFF086  }
0x1c: {  	p1 =	slt.u32 s9, $0xF7A;
	s5 =	simm.s32 @!p2 $0x0  }
0x1d: {  	s5 =	simm.s32 @p1 $0x1;
	p0 =	seq.s32 s7, s2  }
0x1e: {  	s7 =	smul.u32 @!p0 $0xF7A, s2;
	p2 =	seq.s32 @!p0 s5, $0x0  }
0x1f: {  	s9 =	smul.u32 $0xF7A, s1;
	s8 =	simm.s32 @!p0 $0x1BF5;
	p2 =	por !p2, p0  }
0x20: {  	[sflag:s8] =	ssyncset.s32 @!p0 $0xFFFFF086;
	s6 =	sadd.s32 @!p0 s3, s7;
	s7 =	simm.s32 @!p0 $0x108  }
0x21: {  	s3 =	sadd.s32 s3, s9;
	s6 =	sadd.s32 @!p0 $0x88, s6;
	s7 =	simm.s32 @p2 $0x1082  }
0x22: {  	[simem:s7], [sflag:s8] =	dma.local @!p0 [hbm:s6], $0xF7A  }
0x23: {  	s9 =	sor.u32 $0xD0000000, s2;
	s6 =	simm.s32 $0x108;
	_ =	swait.ge @!p0 [sflag:s8], $0x0  }
0x24: {  	s3 =	sadd.s32 $0x88, s3;
	s6 =	simm.s32 @!p1 $0x1082;
	[sflag:s4] =	ssyncset.s32 $0xFFFFF086  }
0x25: {  	[simem:s6], [sflag:s4] =	dma.local [hbm:s3], $0xF7A  }
0x26: {  	[smem:$0x3F9D] =	sst s1;
	(tag) =	ssettag s2;
	_ =	strace s9  }
0x27: {  	s1 =	sld [smem:$0x3FAD]  }
0x28: {  	s2 =	sld [smem:$0x3FAE]  }
0x29: {  	s4 =	sld [smem:$0x3FB0]  }
0x2a: {  	p0 =	seq.s32 s5, $0x0;
	s5 =	sld [smem:$0x3FB1]  }
0x2b: {  	s6 =	sld [smem:$0x3FB2]  }
0x2c: {  	s7 =	sld [smem:$0x3FB3]  }
0x2d: {  	s3 =	simm.s32 $0x108;
	s8 =	sld [smem:$0x3FB4]  }
0x2e: {  	s3 =	simm.s32 @!p0 $0x1082;
	s9 =	sld [smem:$0x3FB5]  }
0x2f: {  	lr =	sadd.s32 s0, s3;
	s0 =	sld [smem:$0x3FAC]  }
0x30: {  	s3 =	sld [smem:$0x3FAF]  }
0x31: {  	[smem:$0x3FB8] =	sst s10  }
0x32: {  	s10 =	sld [smem:$0x3FB6];
	_ =	sdelay $0x3  }
0x33: {  	p0 =	seq.s32 s10, $0x1;
	s10 =	sld [smem:$0x3FB8];
	_ =	sdelay $0x3  }
0x34: {  	[smem:$0x3FB8] =	sst s10  }
0x35: {  	s10 =	sld [smem:$0x3FB7];
	_ =	sdelay $0x3  }
0x36: {  	p1 =	seq.s32 s10, $0x1;
	s10 =	sld [smem:$0x3FB8];
	_ =	sdelay $0x3  }
0x37: {  	[smem:$0x3FB8] =	sst s10  }
0x38: {  	s10 =	sld [smem:$0x3FB9]  }
0x39: {  	_ = 	snop;
	(pc) =	sbr.ind lr, $3  }
0x3a: {  	_ = 	snop  }
0x3b: {  	_ = 	snop  }
0x3c: {  	p2 =	seq.s32 s10, $0x1;
	s10 =	sld [smem:$0x3FB8]  }
0x3d: {  	_ =	shalt  }
0x3e: {  	_ =	shalt  }
0x3f: {  	_ =	shalt  }
0x40: {  	_ =	shalt  }
0x41: {  	_ =	shalt  }
0x42: {  	_ =	shalt  }
0x43: {  	_ =	shalt  }
0x44: {  	_ =	shalt  }
0x45: {  	_ =	shalt  }
0x46: {  	_ =	shalt  }
0x47: {  	_ =	shalt  }
0x48: {  	_ =	shalt  }
0x49: {  	_ =	shalt  }
0x4a: {  	_ =	shalt  }
0x4b: {  	_ =	shalt  }
0x4c: {  	_ =	shalt  }
0x4d: {  	_ =	shalt  }
0x4e: {  	_ =	shalt  }
0x4f: {  	_ =	shalt  }
0x50: {  	_ =	shalt  }
0x51: {  	_ =	shalt  }
0x52: {  	_ =	shalt  }
0x53: {  	_ =	shalt  }
0x54: {  	_ =	shalt  }
0x55: {  	_ =	shalt  }
0x56: {  	_ =	shalt  }
0x57: {  	_ =	shalt  }
0x58: {  	_ =	shalt  }
0x59: {  	_ =	shalt  }
0x5a: {  	_ =	shalt  }
0x5b: {  	_ =	shalt  }
0x5c: {  	_ =	shalt  }
0x5d: {  	_ =	shalt  }
0x5e: {  	_ =	shalt  }
0x5f: {  	_ =	shalt  }
0x60: {  	_ =	shalt  }
0x61: {  	_ =	shalt  }
0x62: {  	_ =	shalt  }
0x63: {  	_ =	shalt  }
0x64: {  	_ =	shalt  }
0x65: {  	_ =	shalt  }
0x66: {  	_ =	shalt  }
0x67: {  	_ =	shalt  }
0x68: {  	_ =	shalt  }
0x69: {  	_ =	shalt  }
0x6a: {  	_ =	shalt  }
0x6b: {  	_ =	shalt  }
0x6c: {  	_ =	shalt  }
0x6d: {  	_ =	shalt  }
0x6e: {  	_ =	shalt  }
0x6f: {  	_ =	shalt  }
0x70: {  	_ =	shalt  }
0x71: {  	_ =	shalt  }
0x72: {  	_ =	shalt  }
0x73: {  	_ =	shalt  }
0x74: {  	_ =	shalt  }
0x75: {  	_ =	shalt  }
0x76: {  	_ =	shalt  }
0x77: {  	_ =	shalt  }
0x78: {  	_ =	shalt  }
0x79: {  	_ =	shalt  }
0x7a: {  	_ =	shalt  }
0x7b: {  	_ =	shalt  }
0x7c: {  	_ =	shalt  }
0x7d: {  	_ =	shalt  }
0x7e: {  	_ =	shalt  }
0x7f: {  	_ =	shalt  }
0x80: {  	_ =	shalt  }
0x81: {  	_ =	shalt  }
0x82: {  	_ =	shalt  }
0x83: {  	_ =	shalt  }
0x84: {  	_ =	shalt  }
0x85: {  	_ =	shalt  }
0x86: {  	_ =	shalt  }
0x87: {  	_ =	shalt  }
.Lfunc_end0:
.L_simem_size_0:
called_computation_lowered:
.L_overlay_start_0:
0x88: {  	s2 =	sld [smem:$0x3FD9]  }
0x89: {  	s3 =	sld [smem:$0x3FFE];
	_ =	sdelay $0x1  }
0x8a: {  	s1 =	srdreg.scid  }
0x8b: {  	s0 =	sand.u32 $0x1, s1  }
0x8c: {  	s17 =	sshll.u32 s0, $0xA;
	s2 =	sadd.s32 s3, s2  }
0x8d: {  	s2 =	sadd.s32 s2, s17  }
0x8e: {  	[smem:$0x3FC4] =	sst s2  }
0x8f: {  	_ = 	snop  }
0x90: {  	s2 =	sld [smem:$0x3FC9]  }
0x91: {  	s18 =	sld [smem:$0x3FD0];
	(tm) =	ssettm $0x1  }
0x92: {  	s4 =	sld [smem:$0x3FFB];
	_ =	sdelay $0x3  }
0x93: {  	_ =	strace s4  }
0x94: {  	s4 =	sld [smem:$0x3FFC];
	_ =	sdelay $0x3  }
0x95: {  	_ =	strace s4  }
0x96: {  	s4 =	sld [smem:$0x3FFD];
	_ =	sdelay $0x3  }
0x97: {  	_ =	strace s4  }
0x98: {  	_ =	strace $0x8FFFFFFF  }
0x99: {  	s19 =	sld [smem:$0x3FDB];
	_ =	sdelay $0x1  }
0x9a: {  	s5 =	simm.s32 $_scs_section_size  }
0x9b: {  	s6 =	simm.s32 $_size__tile_overlayer_lowered;
	s7 =	simm.s32 $_tile_overlayer_lowered  }
0x9c: {  	s22 =	simm.s32 $0x1BFF;
	s21 =	sshll.u32 s7, $0x1;
	s4 =	sadd.s32 s5, s19  }
0x9d: {  	s8 =	simm.s32 $0x0;
	s20 =	sshll.u32 s6, $0x1;
	s6 =	sadd.s32 s21, s4  }
0x9e: {  	[timem:s8], [sflag:s22] =	dma.local [hbm:s6], s20  }
0x9f: {  	_ =	swait.ge [sflag:s22], s20  }
0xa0: {  	s5 =	ssub.s32 $0x0, s20;
	[sflag:s22] =	ssyncset.done $0x0  }
0xa1: {  	[sflag:s22] =	ssyncadd.s32 s5;
	_ =	sdelay $0x1  }
0xa2: {  	s23 =	simm.s32 $0x1B8B  }
0xa3: {  	_ =	swait.ge [sflag:s23], $0x1  }
0xa4: {  	[sflag:s23] =	ssyncset.done $0x0  }
0xa5: {  	s25 =	simm.s32 $0x1B8E;
	s24 =	sld [smem:$0x3FFE];
	[sflag:s23] =	ssyncadd.s32 $0xFFFFFFFF  }
0xa6: {  	s26 =	simm.s32 $execute0_lowered;
	[smem:$0x3FD2] =	sst s25  }
0xa7: {  	s6 =	sshll.u32 s26, $0x1;
	_ =	strace $0x80000046;
	[dreg:$0x1] =	wrdreg $0xFFFFFFFF  }
0xa8: {  	s28 =	simm.s32 $_size_execute0_lowered;
	s4 =	sadd.s32 s4, s6;
	[dreg:$0x0] =	wrdreg $0x0  }
0xa9: {  	s6 =	sshll.u32 s28, $0x1;
	[dreg:$0x2] =	wrdreg s4  }
0xaa: {  	[dreg:$0x3] =	wrdreg s6  }
0xab: {  	[dreg:$0x4] =	wrdreg $0xC0  }
0xac: {  	_ =	task [dreg:s8], $0x5FFFF  }
0xad: {  	[dreg:$0x1] =	wrdreg $0xFFFFFFFF  }
0xae: {  	[dreg:$0x0] =	wrdreg $0x60  }
0xaf: {  	[dreg:$0x2] =	wrdreg s24  }
0xb0: {  	[dreg:$0x3] =	wrdreg s2  }
0xb1: {  	[dreg:$0x4] =	wrdreg s18  }
0xb2: {  	[dreg:$0x5] =	wrdreg $0x9  }
0xb3: {  	_ =	task.clear_ibuf [dreg:s8], $0x6FFFF;
	_ =	strace $0x90000046  }
0xb4: {  	s29 =	simm.s32 $0x9;
	_ =	strace $0x80000048  }
0xb5: {  	_ =	swait.ge [sflag:s29], $0x1  }
0xb6: {  	[sflag:s29] =	ssyncadd.s32 $0xFFFFFFFF  }
0xb7: {  	_ =	strace $0x90000048  }
0xb8: {  	_ =	sfence  }
0xb9: {  	s30 =	sld [smem:$0x0];
	_ =	sdelay $0x2  }
0xba: {  	s31 =	sshll.u32 s1, $0xD;
	s1 =	sshrl.u32 s1, $0x2  }
0xbb: {  	s3 =	sand.u32 $0x4000, s31;
	s1 =	sadd.s32 s1, s30  }
0xbc: {  	s0 =	sor.u32 s3, s0;
	s1 =	sshll.u32 s1, $0x11  }
0xbd: {  	s0 =	sor.u32 s1, s0  }
0xbe: {  	s0 =	sadd.s32 $0x8F2B, s0  }
0xbf: {  	[sflag:s0] =	ssyncadd.remote.s32 $0x1  }
0xc0: {  	_ =	sfence.sel $0xFFFF  }
0xc1: {  	[dreg:$0x0] =	wrdreg $0xFFFFFFFF;
	(pc) =	sbr.abs _section_cstart, $3  }
0xc2: {  	[dreg:$0x1] =	wrdreg $0xFFFFFFFF  }
0xc3: {  	_ =	task.clear_ibuf [dreg:s8], $0x2FFFF;
	_ =	strace $0x9FFFFFFF  }
0xc4: {  	(tm) =	ssettm $0x7FFFFFFF  }
0xc5: {  	_ =	shalt  }
tec
execute0_lowered:
.L_overlay_start_1:
0x0: {  	(tag) =	ssettag $0x1  }
0x1: {  	s1 =	stileid.u32  }
0x2: {  	p0 =	sgt.u32 s1, $0x7  }
.Ltmp0:
0x3: {  	s3 =	rddreg [dreg:$0x0];
	(pc) =	sbr.rel @p0 .LBB2_27-.Ltmp0, $4  }
0x4: {  	s11 =	rddreg [dreg:$0x1]  }
0x5: {  	s5 =	rddreg [dreg:$0x2];
	s2 =	simm.s32 $0x0  }
0x6: {  	[smem:$0x7FF] =	sst s2  }
0x7: {  	s0 =	rddreg [dreg:$0x3];
	_ =	strace $0x80000047  }
0x8: {  	s4 =	srdreg.scid;
	s31 =	sshll.u32 s1, $0x1;
	s3 =	sadd.s32 $0x600, s3  }
0x9: {  	s15 =	simm.s32 $0x2;
	s16 =	simm.s32 $0x1;
	s7 =	sand.u32 $0x1, s4  }
0xa: {  	s17 =	simm.s32 $0x1EAA0;
	s18 =	simm.s32 $0x3;
	s6 =	sor.u32 s7, s31  }
0xb: {  	s19 =	simm.s32 $0x0;
	s13 =	ssub.s32 $0x2, s7;
	s12 =	sshll.u32 s6, $0x8  }
0xc: {  	s6 =	sshll.u32 s6, $0x5;
	s14 =	sshrl.u32 s13, $0x1;
	s8 =	sadd.s32 s12, s11  }
0xd: {  	s5 =	sadd.s32 s5, s6;
	s13 =	ssub.s32 s13, s14;
	s11 =	sadd.s32 s11, s12  }
0xe: {  	s14 =	simm.s32 $0x80;
	s4 =	sadd.s32 $0x8, s8;
	s6 =	sadd.s32 $0x80, s8  }
0xf: {  	s7 =	sadd.s32 $0x8, s5;
	s8 =	sadd.s32 $0x88, s8;
	s9 =	sadd.s32 $0x10, s5  }
0x10: {  	s10 =	sadd.s32 $0x18, s5;
	s12 =	smax.u32 s13, $0x1;
	s13 =	simm.s32 $0x40  }
.LBB2_2:
0x11: {  	s20 =	simm.s32 $0x0  }
0x12: {  	[tilespmem:s20], [sflag:$0x1] =	stream.linear.gather [hbm4b:s3+s20], $0x186A0, $0x38;
	[tilespmem:$0x1EAE0] =	vst v63  }
0x13: {  	s31 =	simm.s32 $0x186A0;
	s21 =	smov.u32 s11;
	s20 =	simm.s32 $0x800  }
0x14: {  	[tilespmem:s31], [sflag:$0x2] =	stream.strided.gather [hbm4b:s11+s13], $0x200, s14, s13, $0x38;
	[tilespmem:$0x1EAE0] =	vst v63  }
.LBB2_3:
0x15: {  	p0 =	sne.s32 s20, $0xC000  }
.Ltmp1:
0x16: {  	_ = 	snop;
	(pc) =	sbr.rel @p0 .LBB2_3-.Ltmp1, $4  }
0x17: {  	_ = 	snop  }
0x18: {  	s22 =	sshra.s32 s20, $0x2;
	s20 =	sadd.s32 $0x800, s20  }
0x19: {  	s21 =	sadd.s32 $0x1000, s21;
	s22 =	sadd.s32 $0x186A0, s22  }
0x1a: {  	[tilespmem:s22], [sflag:$0x2] =	stream.strided.gather [hbm4b:s21+s13], $0x200, s14, s13, $0x38;
	[tilespmem:$0x1EAE0] =	vst v63  }
0x1b: {  	_ =	swait.ge [sflag:s15], $0x3200  }
0x1c: {  	[sflag:s15] =	ssyncset.done $0x0  }
0x1d: {  	[sflag:s15] =	ssyncadd.s32 $0xFFFFCE00  }
0x1e: {  	_ =	swait.ge [sflag:s16], $0x186A0  }
0x1f: {  	s20 =	simm.s32 $0x0;
	[sflag:s16] =	ssyncset.done $0x0  }
0x20: {  	s21 =	simm.s32 $0x0;
	s22 =	smov.u32 s4;
	[sflag:s16] =	ssyncadd.s32 $0xFFFE7960  }
.LBB2_5:
0x21: {  	p0 =	sne.s32 s21, $0xC000  }
.Ltmp2:
0x22: {  	_ = 	snop;
	(pc) =	sbr.rel @p0 .LBB2_5-.Ltmp2, $4  }
0x23: {  	s23 =	sshra.s32 s21, $0x2  }
0x24: {  	s23 =	sadd.s32 $0x1B8A0, s23  }
0x25: {  	[tilespmem:s23], [sflag:$0x2] =	stream.strided.gather [hbm4b:s22+s13], $0x200, s14, s13, $0x38;
	[tilespmem:$0x1EAE0] =	vst v63  }
0x26: {  	s21 =	sadd.s32 $0x800, s21;
	s22 =	sadd.s32 $0x1000, s22  }
0x27: {  	s21 =	simm.s32 $0x187A0  }
.LBB2_7:
0x28: {  	v0 =	vmov s21;
	_ =	sdelay $0x3  }
0x29: {  	s22 =	simm.s32 $0x0  }
0x2a: {  	v1 =	vld.idx.msk [tilespmem:v0+s22+$0xFFFFFF00 ss:$0x1], $0xffff  }
0x2b: {  	v2 =	vld.idx.msk [tilespmem:v0+s22+$0xFFFFFF40 ss:$0x1], $0xffff;
	_ =	sdelay $0x1  }
0x2c: {  	v5 =	vld.idx.msk [tilespmem:v0+s22+$0xFFFFFF80 ss:$0x1], $0xffff;
	_ =	sdelay $0x1  }
0x2d: {  	v8 =	vld.idx.msk [tilespmem:v0+s22+$0xFFFFFFC0 ss:$0x1], $0xffff  }
0x2e: {  	v4 =	vld.idx.msk [tilespmem:v0+s22+$0x0 ss:$0x1], $0xffff  }
0x2f: {  	v3 =	vld.idx.msk [tilespmem:v0+s22+$0x40 ss:$0x1], $0xffff  }
0x30: {  	v9 =	vld.idx.msk [tilespmem:v1+s2+$0x0], $0xffff  }
0x31: {  	v7 =	vld.idx.msk [tilespmem:v2+s2+$0x0], $0xffff  }
0x32: {  	v2 =	vld.idx.msk [tilespmem:v0+s22+$0x80 ss:$0x1], $0xffff  }
0x33: {  	v6 =	vld.idx.msk [tilespmem:v5+s2+$0x0], $0xffff  }
0x34: {  	v1 =	vld.idx.msk [tilespmem:v0+s22+$0xC0 ss:$0x1], $0xffff;
	v5 =	vimm.f32 $0.0e+00  }
0x35: {  	s22 =	simm.s32 $0x200;
	v8 =	vld.idx.msk [tilespmem:v8+s2+$0x0], $0xffff;
	v9 =	vadd.f32 v9, v5  }
0x36: {  	s23 =	simm.s32 $0x1000;
	v5 =	vld.idx.msk [tilespmem:v0+s22+$0xFFFFFF00 ss:$0x1], $0xffff  }
.LBB2_8:
0x37: {  	p0 =	sne.s32 s23, $0xC000;
	v7 =	vadd.f32 v7, v9;
	v4 =	vld.idx.msk [tilespmem:v4+s2+$0x0], $0xffff  }
0x38: {  	v9 =	vld.idx.msk [tilespmem:v0+s22+$0xFFFFFF40 ss:$0x1], $0xffff  }
0x39: {  	v6 =	vadd.f32 v6, v7;
	v3 =	vld.idx.msk [tilespmem:v3+s2+$0x0], $0xffff  }
0x3a: {  	v10 =	vld.idx.msk [tilespmem:v0+s22+$0xFFFFFF80 ss:$0x1], $0xffff  }
0x3b: {  	v6 =	vadd.f32 v8, v6;
	v2 =	vld.idx.msk [tilespmem:v2+s2+$0x0], $0xffff  }
0x3c: {  	v8 =	vld.idx.msk [tilespmem:v0+s22+$0xFFFFFFC0 ss:$0x1], $0xffff  }
0x3d: {  	v6 =	vadd.f32 v4, v6;
	v1 =	vld.idx.msk [tilespmem:v1+s2+$0x0], $0xffff  }
0x3e: {  	v4 =	vld.idx.msk [tilespmem:v0+s22+$0x0 ss:$0x1], $0xffff  }
0x3f: {  	v5 =	vld.idx.msk [tilespmem:v5+s2+$0x0], $0xffff;
	v6 =	vadd.f32 v3, v6  }
0x40: {  	v3 =	vld.idx.msk [tilespmem:v0+s22+$0x40 ss:$0x1], $0xffff  }
0x41: {  	v7 =	vld.idx.msk [tilespmem:v9+s2+$0x0], $0xffff;
	v9 =	vadd.f32 v2, v6  }
.Ltmp3:
0x42: {  	v2 =	vld.idx.msk [tilespmem:v0+s22+$0x80 ss:$0x1], $0xffff;
	(pc) =	sbr.rel @p0 .LBB2_8-.Ltmp3, $4  }
0x43: {  	v6 =	vld.idx.msk [tilespmem:v10+s2+$0x0], $0xffff;
	v9 =	vadd.f32 v1, v9  }
0x44: {  	v1 =	vld.idx.msk [tilespmem:v0+s22+$0xC0 ss:$0x1], $0xffff  }
0x45: {  	s22 =	sshra.s32 s23, $0x2;
	v9 =	vadd.f32 v5, v9;
	v8 =	vld.idx.msk [tilespmem:v8+s2+$0x0], $0xffff  }
0x46: {  	s23 =	sadd.s32 $0x800, s23;
	v5 =	vld.idx.msk [tilespmem:v0+s22+$0xFFFFFF00 ss:$0x1], $0xffff  }
0x47: {  	_ =	sdelay $0x2  }
0x48: {  	v7 =	vadd.f32 v7, v9  }
0x49: {  	v4 =	vld.idx.msk [tilespmem:v4+s2+$0x0], $0xffff  }
0x4a: {  	v50 =	vld.idx.msk [tilespmem:v0+s22+$0xFFFFFF40 ss:$0x1], $0xffff;
	v6 =	vadd.f32 v6, v7  }
0x4b: {  	v3 =	vld.idx.msk [tilespmem:v3+s2+$0x0], $0xffff  }
0x4c: {  	v51 =	vld.idx.msk [tilespmem:v0+s22+$0xFFFFFF80 ss:$0x1], $0xffff;
	v6 =	vadd.f32 v8, v6  }
0x4d: {  	v2 =	vld.idx.msk [tilespmem:v2+s2+$0x0], $0xffff  }
0x4e: {  	v52 =	vld.idx.msk [tilespmem:v0+s22+$0xFFFFFFC0 ss:$0x1], $0xffff;
	v4 =	vadd.f32 v4, v6  }
0x4f: {  	v1 =	vld.idx.msk [tilespmem:v1+s2+$0x0], $0xffff  }
0x50: {  	v53 =	vld.idx.msk [tilespmem:v0+s22+$0x0 ss:$0x1], $0xffff;
	v3 =	vadd.f32 v3, v4  }
0x51: {  	v54 =	vld.idx.msk [tilespmem:v5+s2+$0x0], $0xffff  }
0x52: {  	v55 =	vld.idx.msk [tilespmem:v0+s22+$0x40 ss:$0x1], $0xffff;
	v2 =	vadd.f32 v2, v3  }
0x53: {  	v56 =	vld.idx.msk [tilespmem:v50+s2+$0x0], $0xffff  }
0x54: {  	v57 =	vld.idx.msk [tilespmem:v0+s22+$0x80 ss:$0x1], $0xffff;
	v1 =	vadd.f32 v1, v2  }
0x55: {  	v58 =	vld.idx.msk [tilespmem:v51+s2+$0x0], $0xffff  }
0x56: {  	v59 =	vld.idx.msk [tilespmem:v0+s22+$0xC0 ss:$0x1], $0xffff;
	v1 =	vadd.f32 v54, v1  }
0x57: {  	v60 =	vld.idx.msk [tilespmem:v52+s2+$0x0], $0xffff  }
0x58: {  	v1 =	vadd.f32 v56, v1  }
0x59: {  	v61 =	vld.idx.msk [tilespmem:v53+s2+$0x0], $0xffff  }
0x5a: {  	v1 =	vadd.f32 v58, v1  }
0x5b: {  	v62 =	vld.idx.msk [tilespmem:v55+s2+$0x0], $0xffff  }
0x5c: {  	v1 =	vadd.f32 v60, v1  }
0x5d: {  	v63 =	vld.idx.msk [tilespmem:v57+s2+$0x0], $0xffff  }
0x5e: {  	v1 =	vadd.f32 v61, v1  }
0x5f: {  	v0 =	vld.idx.msk [tilespmem:v59+s2+$0x0], $0xffff  }
0x60: {  	v1 =	vadd.f32 v62, v1;
	_ =	sdelay $0x1  }
0x61: {  	v1 =	vadd.f32 v63, v1;
	_ =	sdelay $0x1  }
0x62: {  	v0 =	vadd.f32 v0, v1;
	_ =	sdelay $0x1  }
0x63: {  	v0 =	vsub.f32 $0.0e+00, v0;
	_ =	sdelay $0x1  }
0x64: {  	v0 =	vmul.f32 $1.442695020e+00, v0;
	_ =	sdelay $0x1  }
0x65: {  	(erf) = vpow2.f32 v0;
	_ =	sdelay $0x8  }
0x66: {  	v0 =	vpop (erf)  }
0x67: {  	v0 =	vadd.f32 $1.000000000e+00, v0;
	_ =	sdelay $0x1  }
0x68: {  	(erf) = vrcp.f32 v0;
	_ =	sdelay $0x3  }
0x69: {  	s31 =	sshll.u32 s20, $0x4;
	s20 =	sadd.s32 $0x1, s20  }
0x6a: {  	p0 =	sne.s32 s20, $0x4  }
.Ltmp4:
0x6b: {  	_ = 	snop;
	(pc) =	sbr.rel @p0 .LBB2_7-.Ltmp4, $3  }
0x6c: {  	_ =	sdelay $0x1  }
0x6d: {  	s22 =	sand.u32 $0x3FFFFFF0, s31;
	v0 =	vpop (erf)  }
0x6e: {  	s21 =	sadd.s32 $0x10, s21;
	[tilespmem:s22+$0x1EAA0] =	vst v0  }
0x6f: {  	s20 =	simm.s32 $0x0  }
0x70: {  	[hbm4b:s5+s20] =	stream.linear.scatter [tilespmem:s17], [sflag:$0x3], $0x40, $0x38;
	[tilespmem:$0x1EAE0] =	vst v63  }
0x71: {  	_ =	swait.ge [sflag:s18], $0x40  }
0x72: {  	[sflag:s18] =	ssyncset.done $0x0  }
0x73: {  	[sflag:s18] =	ssyncadd.s32 $0xFFFFFFC0  }
0x74: {  	_ =	swait.ge [sflag:s15], $0x3200  }
0x75: {  	[sflag:s15] =	ssyncset.done $0x0  }
0x76: {  	s21 =	simm.s32 $0x0;
	s22 =	smov.u32 s6;
	[sflag:s15] =	ssyncadd.s32 $0xFFFFCE00  }
.LBB2_11:
0x77: {  	p0 =	sne.s32 s21, $0xC000  }
.Ltmp5:
0x78: {  	_ = 	snop;
	(pc) =	sbr.rel @p0 .LBB2_11-.Ltmp5, $4  }
0x79: {  	s23 =	sshra.s32 s21, $0x2  }
0x7a: {  	s23 =	sadd.s32 $0x186A0, s23  }
0x7b: {  	[tilespmem:s23], [sflag:$0x2] =	stream.strided.gather [hbm4b:s22+s13], $0x200, s14, s13, $0x38;
	[tilespmem:$0x1EAE0] =	vst v63  }
0x7c: {  	s21 =	sadd.s32 $0x800, s21;
	s22 =	sadd.s32 $0x1000, s22  }
0x7d: {  	s21 =	simm.s32 $0x1B9A0  }
.LBB2_13:
0x7e: {  	v0 =	vmov s21;
	_ =	sdelay $0x3  }
0x7f: {  	s22 =	simm.s32 $0x0  }
0x80: {  	v1 =	vld.idx.msk [tilespmem:v0+s22+$0xFFFFFF00 ss:$0x1], $0xffff  }
0x81: {  	v2 =	vld.idx.msk [tilespmem:v0+s22+$0xFFFFFF40 ss:$0x1], $0xffff;
	_ =	sdelay $0x1  }
0x82: {  	v5 =	vld.idx.msk [tilespmem:v0+s22+$0xFFFFFF80 ss:$0x1], $0xffff;
	_ =	sdelay $0x1  }
0x83: {  	v8 =	vld.idx.msk [tilespmem:v0+s22+$0xFFFFFFC0 ss:$0x1], $0xffff  }
0x84: {  	v4 =	vld.idx.msk [tilespmem:v0+s22+$0x0 ss:$0x1], $0xffff  }
0x85: {  	v3 =	vld.idx.msk [tilespmem:v0+s22+$0x40 ss:$0x1], $0xffff  }
0x86: {  	v9 =	vld.idx.msk [tilespmem:v1+s2+$0x0], $0xffff  }
0x87: {  	v7 =	vld.idx.msk [tilespmem:v2+s2+$0x0], $0xffff  }
0x88: {  	v2 =	vld.idx.msk [tilespmem:v0+s22+$0x80 ss:$0x1], $0xffff  }
0x89: {  	v6 =	vld.idx.msk [tilespmem:v5+s2+$0x0], $0xffff  }
0x8a: {  	v1 =	vld.idx.msk [tilespmem:v0+s22+$0xC0 ss:$0x1], $0xffff;
	v5 =	vimm.f32 $0.0e+00  }
0x8b: {  	s22 =	simm.s32 $0x200;
	v8 =	vld.idx.msk [tilespmem:v8+s2+$0x0], $0xffff;
	v9 =	vadd.f32 v9, v5  }
0x8c: {  	s23 =	simm.s32 $0x1000;
	v5 =	vld.idx.msk [tilespmem:v0+s22+$0xFFFFFF00 ss:$0x1], $0xffff  }
.LBB2_14:
0x8d: {  	p0 =	sne.s32 s23, $0xC000;
	v7 =	vadd.f32 v7, v9;
	v4 =	vld.idx.msk [tilespmem:v4+s2+$0x0], $0xffff  }
0x8e: {  	v9 =	vld.idx.msk [tilespmem:v0+s22+$0xFFFFFF40 ss:$0x1], $0xffff  }
0x8f: {  	v6 =	vadd.f32 v6, v7;
	v3 =	vld.idx.msk [tilespmem:v3+s2+$0x0], $0xffff  }
0x90: {  	v10 =	vld.idx.msk [tilespmem:v0+s22+$0xFFFFFF80 ss:$0x1], $0xffff  }
0x91: {  	v6 =	vadd.f32 v8, v6;
	v2 =	vld.idx.msk [tilespmem:v2+s2+$0x0], $0xffff  }
0x92: {  	v8 =	vld.idx.msk [tilespmem:v0+s22+$0xFFFFFFC0 ss:$0x1], $0xffff  }
0x93: {  	v6 =	vadd.f32 v4, v6;
	v1 =	vld.idx.msk [tilespmem:v1+s2+$0x0], $0xffff  }
0x94: {  	v4 =	vld.idx.msk [tilespmem:v0+s22+$0x0 ss:$0x1], $0xffff  }
0x95: {  	v5 =	vld.idx.msk [tilespmem:v5+s2+$0x0], $0xffff;
	v6 =	vadd.f32 v3, v6  }
0x96: {  	v3 =	vld.idx.msk [tilespmem:v0+s22+$0x40 ss:$0x1], $0xffff  }
0x97: {  	v7 =	vld.idx.msk [tilespmem:v9+s2+$0x0], $0xffff;
	v9 =	vadd.f32 v2, v6  }
.Ltmp6:
0x98: {  	v2 =	vld.idx.msk [tilespmem:v0+s22+$0x80 ss:$0x1], $0xffff;
	(pc) =	sbr.rel @p0 .LBB2_14-.Ltmp6, $4  }
0x99: {  	v6 =	vld.idx.msk [tilespmem:v10+s2+$0x0], $0xffff;
	v9 =	vadd.f32 v1, v9  }
0x9a: {  	v1 =	vld.idx.msk [tilespmem:v0+s22+$0xC0 ss:$0x1], $0xffff  }
0x9b: {  	s22 =	sshra.s32 s23, $0x2;
	v9 =	vadd.f32 v5, v9;
	v8 =	vld.idx.msk [tilespmem:v8+s2+$0x0], $0xffff  }
0x9c: {  	s23 =	sadd.s32 $0x800, s23;
	v5 =	vld.idx.msk [tilespmem:v0+s22+$0xFFFFFF00 ss:$0x1], $0xffff  }
0x9d: {  	_ =	sdelay $0x2  }
0x9e: {  	v7 =	vadd.f32 v7, v9  }
0x9f: {  	v4 =	vld.idx.msk [tilespmem:v4+s2+$0x0], $0xffff  }
0xa0: {  	v50 =	vld.idx.msk [tilespmem:v0+s22+$0xFFFFFF40 ss:$0x1], $0xffff;
	v6 =	vadd.f32 v6, v7  }
0xa1: {  	v3 =	vld.idx.msk [tilespmem:v3+s2+$0x0], $0xffff  }
0xa2: {  	v51 =	vld.idx.msk [tilespmem:v0+s22+$0xFFFFFF80 ss:$0x1], $0xffff;
	v6 =	vadd.f32 v8, v6  }
0xa3: {  	v2 =	vld.idx.msk [tilespmem:v2+s2+$0x0], $0xffff  }
0xa4: {  	v52 =	vld.idx.msk [tilespmem:v0+s22+$0xFFFFFFC0 ss:$0x1], $0xffff;
	v4 =	vadd.f32 v4, v6  }
0xa5: {  	v1 =	vld.idx.msk [tilespmem:v1+s2+$0x0], $0xffff  }
0xa6: {  	v53 =	vld.idx.msk [tilespmem:v0+s22+$0x0 ss:$0x1], $0xffff;
	v3 =	vadd.f32 v3, v4  }
0xa7: {  	v54 =	vld.idx.msk [tilespmem:v5+s2+$0x0], $0xffff  }
0xa8: {  	v55 =	vld.idx.msk [tilespmem:v0+s22+$0x40 ss:$0x1], $0xffff;
	v2 =	vadd.f32 v2, v3  }
0xa9: {  	v56 =	vld.idx.msk [tilespmem:v50+s2+$0x0], $0xffff  }
0xaa: {  	v57 =	vld.idx.msk [tilespmem:v0+s22+$0x80 ss:$0x1], $0xffff;
	v1 =	vadd.f32 v1, v2  }
0xab: {  	v58 =	vld.idx.msk [tilespmem:v51+s2+$0x0], $0xffff  }
0xac: {  	v59 =	vld.idx.msk [tilespmem:v0+s22+$0xC0 ss:$0x1], $0xffff;
	v1 =	vadd.f32 v54, v1  }
0xad: {  	v60 =	vld.idx.msk [tilespmem:v52+s2+$0x0], $0xffff  }
0xae: {  	v1 =	vadd.f32 v56, v1  }
0xaf: {  	v61 =	vld.idx.msk [tilespmem:v53+s2+$0x0], $0xffff  }
0xb0: {  	v1 =	vadd.f32 v58, v1  }
0xb1: {  	v62 =	vld.idx.msk [tilespmem:v55+s2+$0x0], $0xffff  }
0xb2: {  	v1 =	vadd.f32 v60, v1  }
0xb3: {  	v63 =	vld.idx.msk [tilespmem:v57+s2+$0x0], $0xffff  }
0xb4: {  	v1 =	vadd.f32 v61, v1  }
0xb5: {  	v0 =	vld.idx.msk [tilespmem:v59+s2+$0x0], $0xffff  }
0xb6: {  	v1 =	vadd.f32 v62, v1;
	_ =	sdelay $0x1  }
0xb7: {  	v1 =	vadd.f32 v63, v1;
	_ =	sdelay $0x1  }
0xb8: {  	v0 =	vadd.f32 v0, v1;
	_ =	sdelay $0x1  }
0xb9: {  	v0 =	vsub.f32 $0.0e+00, v0;
	_ =	sdelay $0x1  }
0xba: {  	v0 =	vmul.f32 $1.442695020e+00, v0;
	_ =	sdelay $0x1  }
0xbb: {  	(erf) = vpow2.f32 v0;
	_ =	sdelay $0x8  }
0xbc: {  	v0 =	vpop (erf)  }
0xbd: {  	v0 =	vadd.f32 $1.000000000e+00, v0;
	_ =	sdelay $0x1  }
0xbe: {  	(erf) = vrcp.f32 v0;
	_ =	sdelay $0x3  }
0xbf: {  	s31 =	sshll.u32 s20, $0x4;
	s20 =	sadd.s32 $0x1, s20  }
0xc0: {  	p0 =	sne.s32 s20, $0x4  }
.Ltmp7:
0xc1: {  	_ = 	snop;
	(pc) =	sbr.rel @p0 .LBB2_13-.Ltmp7, $3  }
0xc2: {  	_ =	sdelay $0x1  }
0xc3: {  	s22 =	sand.u32 $0x3FFFFFF0, s31;
	v0 =	vpop (erf)  }
0xc4: {  	s21 =	sadd.s32 $0x10, s21;
	[tilespmem:s22+$0x1EAA0] =	vst v0  }
0xc5: {  	s20 =	simm.s32 $0x0  }
0xc6: {  	[hbm4b:s7+s20] =	stream.linear.scatter [tilespmem:s17], [sflag:$0x3], $0x40, $0x38;
	[tilespmem:$0x1EAE0] =	vst v63  }
0xc7: {  	_ =	swait.ge [sflag:s18], $0x40  }
0xc8: {  	[sflag:s18] =	ssyncset.done $0x0  }
0xc9: {  	[sflag:s18] =	ssyncadd.s32 $0xFFFFFFC0  }
0xca: {  	_ =	swait.ge [sflag:s15], $0x3200  }
0xcb: {  	[sflag:s15] =	ssyncset.done $0x0  }
0xcc: {  	s21 =	simm.s32 $0x0;
	s22 =	smov.u32 s8;
	[sflag:s15] =	ssyncadd.s32 $0xFFFFCE00  }
.LBB2_17:
0xcd: {  	p0 =	sne.s32 s21, $0xC000  }
.Ltmp8:
0xce: {  	_ = 	snop;
	(pc) =	sbr.rel @p0 .LBB2_17-.Ltmp8, $4  }
0xcf: {  	s23 =	sshra.s32 s21, $0x2  }
0xd0: {  	s23 =	sadd.s32 $0x1B8A0, s23  }
0xd1: {  	[tilespmem:s23], [sflag:$0x2] =	stream.strided.gather [hbm4b:s22+s13], $0x200, s14, s13, $0x38;
	[tilespmem:$0x1EAE0] =	vst v63  }
0xd2: {  	s21 =	sadd.s32 $0x800, s21;
	s22 =	sadd.s32 $0x1000, s22  }
0xd3: {  	s21 =	simm.s32 $0x187A0  }
.LBB2_19:
0xd4: {  	v0 =	vmov s21;
	_ =	sdelay $0x3  }
0xd5: {  	s22 =	simm.s32 $0x0  }
0xd6: {  	v1 =	vld.idx.msk [tilespmem:v0+s22+$0xFFFFFF00 ss:$0x1], $0xffff  }
0xd7: {  	v2 =	vld.idx.msk [tilespmem:v0+s22+$0xFFFFFF40 ss:$0x1], $0xffff;
	_ =	sdelay $0x1  }
0xd8: {  	v5 =	vld.idx.msk [tilespmem:v0+s22+$0xFFFFFF80 ss:$0x1], $0xffff;
	_ =	sdelay $0x1  }
0xd9: {  	v8 =	vld.idx.msk [tilespmem:v0+s22+$0xFFFFFFC0 ss:$0x1], $0xffff  }
0xda: {  	v4 =	vld.idx.msk [tilespmem:v0+s22+$0x0 ss:$0x1], $0xffff  }
0xdb: {  	v3 =	vld.idx.msk [tilespmem:v0+s22+$0x40 ss:$0x1], $0xffff  }
0xdc: {  	v9 =	vld.idx.msk [tilespmem:v1+s2+$0x0], $0xffff  }
0xdd: {  	v7 =	vld.idx.msk [tilespmem:v2+s2+$0x0], $0xffff  }
0xde: {  	v2 =	vld.idx.msk [tilespmem:v0+s22+$0x80 ss:$0x1], $0xffff  }
0xdf: {  	v6 =	vld.idx.msk [tilespmem:v5+s2+$0x0], $0xffff  }
0xe0: {  	v1 =	vld.idx.msk [tilespmem:v0+s22+$0xC0 ss:$0x1], $0xffff;
	v5 =	vimm.f32 $0.0e+00  }
0xe1: {  	s22 =	simm.s32 $0x200;
	v8 =	vld.idx.msk [tilespmem:v8+s2+$0x0], $0xffff;
	v9 =	vadd.f32 v9, v5  }
0xe2: {  	s23 =	simm.s32 $0x1000;
	v5 =	vld.idx.msk [tilespmem:v0+s22+$0xFFFFFF00 ss:$0x1], $0xffff  }
.LBB2_20:
0xe3: {  	p0 =	sne.s32 s23, $0xC000;
	v7 =	vadd.f32 v7, v9;
	v4 =	vld.idx.msk [tilespmem:v4+s2+$0x0], $0xffff  }
0xe4: {  	v9 =	vld.idx.msk [tilespmem:v0+s22+$0xFFFFFF40 ss:$0x1], $0xffff  }
0xe5: {  	v6 =	vadd.f32 v6, v7;
	v3 =	vld.idx.msk [tilespmem:v3+s2+$0x0], $0xffff  }
0xe6: {  	v10 =	vld.idx.msk [tilespmem:v0+s22+$0xFFFFFF80 ss:$0x1], $0xffff  }
0xe7: {  	v6 =	vadd.f32 v8, v6;
	v2 =	vld.idx.msk [tilespmem:v2+s2+$0x0], $0xffff  }
0xe8: {  	v8 =	vld.idx.msk [tilespmem:v0+s22+$0xFFFFFFC0 ss:$0x1], $0xffff  }
0xe9: {  	v6 =	vadd.f32 v4, v6;
	v1 =	vld.idx.msk [tilespmem:v1+s2+$0x0], $0xffff  }
0xea: {  	v4 =	vld.idx.msk [tilespmem:v0+s22+$0x0 ss:$0x1], $0xffff  }
0xeb: {  	v5 =	vld.idx.msk [tilespmem:v5+s2+$0x0], $0xffff;
	v6 =	vadd.f32 v3, v6  }
0xec: {  	v3 =	vld.idx.msk [tilespmem:v0+s22+$0x40 ss:$0x1], $0xffff  }
0xed: {  	v7 =	vld.idx.msk [tilespmem:v9+s2+$0x0], $0xffff;
	v9 =	vadd.f32 v2, v6  }
.Ltmp9:
0xee: {  	v2 =	vld.idx.msk [tilespmem:v0+s22+$0x80 ss:$0x1], $0xffff;
	(pc) =	sbr.rel @p0 .LBB2_20-.Ltmp9, $4  }
0xef: {  	v6 =	vld.idx.msk [tilespmem:v10+s2+$0x0], $0xffff;
	v9 =	vadd.f32 v1, v9  }
0xf0: {  	v1 =	vld.idx.msk [tilespmem:v0+s22+$0xC0 ss:$0x1], $0xffff  }
0xf1: {  	s22 =	sshra.s32 s23, $0x2;
	v9 =	vadd.f32 v5, v9;
	v8 =	vld.idx.msk [tilespmem:v8+s2+$0x0], $0xffff  }
0xf2: {  	s23 =	sadd.s32 $0x800, s23;
	v5 =	vld.idx.msk [tilespmem:v0+s22+$0xFFFFFF00 ss:$0x1], $0xffff  }
0xf3: {  	_ =	sdelay $0x2  }
0xf4: {  	v7 =	vadd.f32 v7, v9  }
0xf5: {  	v4 =	vld.idx.msk [tilespmem:v4+s2+$0x0], $0xffff  }
0xf6: {  	v50 =	vld.idx.msk [tilespmem:v0+s22+$0xFFFFFF40 ss:$0x1], $0xffff;
	v6 =	vadd.f32 v6, v7  }
0xf7: {  	v3 =	vld.idx.msk [tilespmem:v3+s2+$0x0], $0xffff  }
0xf8: {  	v51 =	vld.idx.msk [tilespmem:v0+s22+$0xFFFFFF80 ss:$0x1], $0xffff;
	v6 =	vadd.f32 v8, v6  }
0xf9: {  	v2 =	vld.idx.msk [tilespmem:v2+s2+$0x0], $0xffff  }
0xfa: {  	v52 =	vld.idx.msk [tilespmem:v0+s22+$0xFFFFFFC0 ss:$0x1], $0xffff;
	v4 =	vadd.f32 v4, v6  }
0xfb: {  	v1 =	vld.idx.msk [tilespmem:v1+s2+$0x0], $0xffff  }
0xfc: {  	v53 =	vld.idx.msk [tilespmem:v0+s22+$0x0 ss:$0x1], $0xffff;
	v3 =	vadd.f32 v3, v4  }
0xfd: {  	v54 =	vld.idx.msk [tilespmem:v5+s2+$0x0], $0xffff  }
0xfe: {  	v55 =	vld.idx.msk [tilespmem:v0+s22+$0x40 ss:$0x1], $0xffff;
	v2 =	vadd.f32 v2, v3  }
0xff: {  	v56 =	vld.idx.msk [tilespmem:v50+s2+$0x0], $0xffff  }
0x100: {  	v57 =	vld.idx.msk [tilespmem:v0+s22+$0x80 ss:$0x1], $0xffff;
	v1 =	vadd.f32 v1, v2  }
0x101: {  	v58 =	vld.idx.msk [tilespmem:v51+s2+$0x0], $0xffff  }
0x102: {  	v59 =	vld.idx.msk [tilespmem:v0+s22+$0xC0 ss:$0x1], $0xffff;
	v1 =	vadd.f32 v54, v1  }
0x103: {  	v60 =	vld.idx.msk [tilespmem:v52+s2+$0x0], $0xffff  }
0x104: {  	v1 =	vadd.f32 v56, v1  }
0x105: {  	v61 =	vld.idx.msk [tilespmem:v53+s2+$0x0], $0xffff  }
0x106: {  	v1 =	vadd.f32 v58, v1  }
0x107: {  	v62 =	vld.idx.msk [tilespmem:v55+s2+$0x0], $0xffff  }
0x108: {  	v1 =	vadd.f32 v60, v1  }
0x109: {  	v63 =	vld.idx.msk [tilespmem:v57+s2+$0x0], $0xffff  }
0x10a: {  	v1 =	vadd.f32 v61, v1  }
0x10b: {  	v0 =	vld.idx.msk [tilespmem:v59+s2+$0x0], $0xffff  }
0x10c: {  	v1 =	vadd.f32 v62, v1;
	_ =	sdelay $0x1  }
0x10d: {  	v1 =	vadd.f32 v63, v1;
	_ =	sdelay $0x1  }
0x10e: {  	v0 =	vadd.f32 v0, v1;
	_ =	sdelay $0x1  }
0x10f: {  	v0 =	vsub.f32 $0.0e+00, v0;
	_ =	sdelay $0x1  }
0x110: {  	v0 =	vmul.f32 $1.442695020e+00, v0;
	_ =	sdelay $0x1  }
0x111: {  	(erf) = vpow2.f32 v0;
	_ =	sdelay $0x8  }
0x112: {  	v0 =	vpop (erf)  }
0x113: {  	v0 =	vadd.f32 $1.000000000e+00, v0;
	_ =	sdelay $0x1  }
0x114: {  	(erf) = vrcp.f32 v0;
	_ =	sdelay $0x3  }
0x115: {  	s31 =	sshll.u32 s20, $0x4;
	s20 =	sadd.s32 $0x1, s20  }
0x116: {  	p0 =	sne.s32 s20, $0x4  }
.Ltmp10:
0x117: {  	_ = 	snop;
	(pc) =	sbr.rel @p0 .LBB2_19-.Ltmp10, $3  }
0x118: {  	_ =	sdelay $0x1  }
0x119: {  	s22 =	sand.u32 $0x3FFFFFF0, s31;
	v0 =	vpop (erf)  }
0x11a: {  	s21 =	sadd.s32 $0x10, s21;
	[tilespmem:s22+$0x1EAA0] =	vst v0  }
0x11b: {  	s20 =	simm.s32 $0x0  }
0x11c: {  	[hbm4b:s9+s20] =	stream.linear.scatter [tilespmem:s17], [sflag:$0x3], $0x40, $0x38;
	[tilespmem:$0x1EAE0] =	vst v63  }
0x11d: {  	_ =	swait.ge [sflag:s18], $0x40  }
0x11e: {  	[sflag:s18] =	ssyncset.done $0x0  }
0x11f: {  	[sflag:s18] =	ssyncadd.s32 $0xFFFFFFC0  }
0x120: {  	_ =	swait.ge [sflag:s15], $0x3200  }
0x121: {  	[sflag:s15] =	ssyncset.done $0x0  }
0x122: {  	s21 =	simm.s32 $0x1B9A0;
	[sflag:s15] =	ssyncadd.s32 $0xFFFFCE00  }
.LBB2_23:
0x123: {  	v0 =	vmov s21;
	_ =	sdelay $0x3  }
0x124: {  	s22 =	simm.s32 $0x0  }
0x125: {  	v1 =	vld.idx.msk [tilespmem:v0+s22+$0xFFFFFF00 ss:$0x1], $0xffff  }
0x126: {  	v2 =	vld.idx.msk [tilespmem:v0+s22+$0xFFFFFF40 ss:$0x1], $0xffff;
	_ =	sdelay $0x1  }
0x127: {  	v5 =	vld.idx.msk [tilespmem:v0+s22+$0xFFFFFF80 ss:$0x1], $0xffff;
	_ =	sdelay $0x1  }
0x128: {  	v8 =	vld.idx.msk [tilespmem:v0+s22+$0xFFFFFFC0 ss:$0x1], $0xffff  }
0x129: {  	v4 =	vld.idx.msk [tilespmem:v0+s22+$0x0 ss:$0x1], $0xffff  }
0x12a: {  	v3 =	vld.idx.msk [tilespmem:v0+s22+$0x40 ss:$0x1], $0xffff  }
0x12b: {  	v9 =	vld.idx.msk [tilespmem:v1+s2+$0x0], $0xffff  }
0x12c: {  	v7 =	vld.idx.msk [tilespmem:v2+s2+$0x0], $0xffff  }
0x12d: {  	v2 =	vld.idx.msk [tilespmem:v0+s22+$0x80 ss:$0x1], $0xffff  }
0x12e: {  	v6 =	vld.idx.msk [tilespmem:v5+s2+$0x0], $0xffff  }
0x12f: {  	v1 =	vld.idx.msk [tilespmem:v0+s22+$0xC0 ss:$0x1], $0xffff;
	v5 =	vimm.f32 $0.0e+00  }
0x130: {  	s22 =	simm.s32 $0x200;
	v8 =	vld.idx.msk [tilespmem:v8+s2+$0x0], $0xffff;
	v9 =	vadd.f32 v9, v5  }
0x131: {  	s23 =	simm.s32 $0x1000;
	v5 =	vld.idx.msk [tilespmem:v0+s22+$0xFFFFFF00 ss:$0x1], $0xffff  }
.LBB2_24:
0x132: {  	p0 =	sne.s32 s23, $0xC000;
	v7 =	vadd.f32 v7, v9;
	v4 =	vld.idx.msk [tilespmem:v4+s2+$0x0], $0xffff  }
0x133: {  	v9 =	vld.idx.msk [tilespmem:v0+s22+$0xFFFFFF40 ss:$0x1], $0xffff  }
0x134: {  	v6 =	vadd.f32 v6, v7;
	v3 =	vld.idx.msk [tilespmem:v3+s2+$0x0], $0xffff  }
0x135: {  	v10 =	vld.idx.msk [tilespmem:v0+s22+$0xFFFFFF80 ss:$0x1], $0xffff  }
0x136: {  	v6 =	vadd.f32 v8, v6;
	v2 =	vld.idx.msk [tilespmem:v2+s2+$0x0], $0xffff  }
0x137: {  	v8 =	vld.idx.msk [tilespmem:v0+s22+$0xFFFFFFC0 ss:$0x1], $0xffff  }
0x138: {  	v6 =	vadd.f32 v4, v6;
	v1 =	vld.idx.msk [tilespmem:v1+s2+$0x0], $0xffff  }
0x139: {  	v4 =	vld.idx.msk [tilespmem:v0+s22+$0x0 ss:$0x1], $0xffff  }
0x13a: {  	v5 =	vld.idx.msk [tilespmem:v5+s2+$0x0], $0xffff;
	v6 =	vadd.f32 v3, v6  }
0x13b: {  	v3 =	vld.idx.msk [tilespmem:v0+s22+$0x40 ss:$0x1], $0xffff  }
0x13c: {  	v7 =	vld.idx.msk [tilespmem:v9+s2+$0x0], $0xffff;
	v9 =	vadd.f32 v2, v6  }
.Ltmp11:
0x13d: {  	v2 =	vld.idx.msk [tilespmem:v0+s22+$0x80 ss:$0x1], $0xffff;
	(pc) =	sbr.rel @p0 .LBB2_24-.Ltmp11, $4  }
0x13e: {  	v6 =	vld.idx.msk [tilespmem:v10+s2+$0x0], $0xffff;
	v9 =	vadd.f32 v1, v9  }
0x13f: {  	v1 =	vld.idx.msk [tilespmem:v0+s22+$0xC0 ss:$0x1], $0xffff  }
0x140: {  	s22 =	sshra.s32 s23, $0x2;
	v9 =	vadd.f32 v5, v9;
	v8 =	vld.idx.msk [tilespmem:v8+s2+$0x0], $0xffff  }
0x141: {  	s23 =	sadd.s32 $0x800, s23;
	v5 =	vld.idx.msk [tilespmem:v0+s22+$0xFFFFFF00 ss:$0x1], $0xffff  }
0x142: {  	_ =	sdelay $0x2  }
0x143: {  	v7 =	vadd.f32 v7, v9  }
0x144: {  	v4 =	vld.idx.msk [tilespmem:v4+s2+$0x0], $0xffff  }
0x145: {  	v50 =	vld.idx.msk [tilespmem:v0+s22+$0xFFFFFF40 ss:$0x1], $0xffff;
	v6 =	vadd.f32 v6, v7  }
0x146: {  	v3 =	vld.idx.msk [tilespmem:v3+s2+$0x0], $0xffff  }
0x147: {  	v51 =	vld.idx.msk [tilespmem:v0+s22+$0xFFFFFF80 ss:$0x1], $0xffff;
	v6 =	vadd.f32 v8, v6  }
0x148: {  	v2 =	vld.idx.msk [tilespmem:v2+s2+$0x0], $0xffff  }
0x149: {  	v52 =	vld.idx.msk [tilespmem:v0+s22+$0xFFFFFFC0 ss:$0x1], $0xffff;
	v4 =	vadd.f32 v4, v6  }
0x14a: {  	v1 =	vld.idx.msk [tilespmem:v1+s2+$0x0], $0xffff  }
0x14b: {  	v53 =	vld.idx.msk [tilespmem:v0+s22+$0x0 ss:$0x1], $0xffff;
	v3 =	vadd.f32 v3, v4  }
0x14c: {  	v54 =	vld.idx.msk [tilespmem:v5+s2+$0x0], $0xffff  }
0x14d: {  	v55 =	vld.idx.msk [tilespmem:v0+s22+$0x40 ss:$0x1], $0xffff;
	v2 =	vadd.f32 v2, v3  }
0x14e: {  	v56 =	vld.idx.msk [tilespmem:v50+s2+$0x0], $0xffff  }
0x14f: {  	v57 =	vld.idx.msk [tilespmem:v0+s22+$0x80 ss:$0x1], $0xffff;
	v1 =	vadd.f32 v1, v2  }
0x150: {  	v58 =	vld.idx.msk [tilespmem:v51+s2+$0x0], $0xffff  }
0x151: {  	v59 =	vld.idx.msk [tilespmem:v0+s22+$0xC0 ss:$0x1], $0xffff;
	v1 =	vadd.f32 v54, v1  }
0x152: {  	v60 =	vld.idx.msk [tilespmem:v52+s2+$0x0], $0xffff  }
0x153: {  	v1 =	vadd.f32 v56, v1  }
0x154: {  	v61 =	vld.idx.msk [tilespmem:v53+s2+$0x0], $0xffff  }
0x155: {  	v1 =	vadd.f32 v58, v1  }
0x156: {  	v62 =	vld.idx.msk [tilespmem:v55+s2+$0x0], $0xffff  }
0x157: {  	v1 =	vadd.f32 v60, v1  }
0x158: {  	v63 =	vld.idx.msk [tilespmem:v57+s2+$0x0], $0xffff  }
0x159: {  	v1 =	vadd.f32 v61, v1  }
0x15a: {  	v0 =	vld.idx.msk [tilespmem:v59+s2+$0x0], $0xffff  }
0x15b: {  	v1 =	vadd.f32 v62, v1;
	_ =	sdelay $0x1  }
0x15c: {  	v1 =	vadd.f32 v63, v1;
	_ =	sdelay $0x1  }
0x15d: {  	v0 =	vadd.f32 v0, v1;
	_ =	sdelay $0x1  }
0x15e: {  	v0 =	vsub.f32 $0.0e+00, v0;
	_ =	sdelay $0x1  }
0x15f: {  	v0 =	vmul.f32 $1.442695020e+00, v0;
	_ =	sdelay $0x1  }
0x160: {  	(erf) = vpow2.f32 v0;
	_ =	sdelay $0x8  }
0x161: {  	v0 =	vpop (erf)  }
0x162: {  	v0 =	vadd.f32 $1.000000000e+00, v0;
	_ =	sdelay $0x1  }
0x163: {  	(erf) = vrcp.f32 v0;
	_ =	sdelay $0x3  }
0x164: {  	s31 =	sshll.u32 s20, $0x4;
	s20 =	sadd.s32 $0x1, s20  }
0x165: {  	p0 =	sne.s32 s20, $0x4  }
.Ltmp12:
0x166: {  	_ = 	snop;
	(pc) =	sbr.rel @p0 .LBB2_23-.Ltmp12, $3  }
0x167: {  	_ =	sdelay $0x1  }
0x168: {  	s22 =	sand.u32 $0x3FFFFFF0, s31;
	v0 =	vpop (erf)  }
0x169: {  	s21 =	sadd.s32 $0x10, s21;
	[tilespmem:s22+$0x1EAA0] =	vst v0  }
0x16a: {  	s19 =	sadd.s32 $0x1, s19  }
0x16b: {  	p0 =	sne.s32 s19, s12  }
.Ltmp13:
0x16c: {  	_ = 	snop;
	(pc) =	sbr.rel @p0 .LBB2_2-.Ltmp13, $4  }
0x16d: {  	[hbm4b:s10+s2] =	stream.linear.scatter [tilespmem:s17], [sflag:$0x3], $0x40, $0x38;
	[tilespmem:$0x1EAE0] =	vst v63  }
0x16e: {  	_ =	swait.ge [sflag:s18], $0x40  }
0x16f: {  	[sflag:s18] =	ssyncset.done $0x0  }
0x170: {  	[sflag:s18] =	ssyncadd.s32 $0xFFFFFFC0  }
.LBB2_27:
0x171: {  	_ =	sfence.sel $0x180000  }
0x172: {  	[bflag:$0x0] =	sbarrier.arrive $0xFFFF  }
0x173: {  	p0 =	sne.s32 s1, $0x0;
	_ =	strace $0x90000047  }
0x174: {  	s0 =	sadd.s32 @!p0 $0x100000, s0;
	[bflag:$0x2] =	sbarrier.arrive $0xFFFF  }
0x175: {  	[sflag:s0] =	ssyncadd.tile.s32 @!p0 $0x1;
	_ =	shalt  }
.Lfunc_end2:
_tile_overlayer_lowered:
.L_overlay_start_2:
0x176: {  	(tag) =	ssettag $0x2  }
0x177: {  	s0 =	rddreg [dreg:$0x0];
	s2 =	stileid.u32  }
0x178: {  	s1 =	rddreg [dreg:$0x1];
	p0 =	sne.s32 s2, $0x0  }
0x179: {  	s3 =	rddreg [dreg:$0x2];
	[bflag:$0x3] =	sbarrier.arrive $0xFFFF;
	s2 =	simm.s32 @!p0 $0x1C03  }
0x17a: {  	[timem:s3], [sflag:s2] =	dma.local @!p0 [hbm:s0], s1  }
0x17b: {  	s0 =	simm.s32 @!p0 $0x3  }
0x17c: {  	_ =	swait.ge @!p0 [sflag:s0], s1  }
0x17d: {  	s1 =	ssub.s32 @!p0 $0x0, s1;
	[sflag:s0] =	ssyncset.done @!p0 $0x0  }
0x17e: {  	[sflag:s0] =	ssyncadd.s32 @!p0 s1  }
0x17f: {  	[bflag:$0x3] =	sbarrier.arrive $0xFFFF  }
0x180: {  	_ =	shalt  }

</sc_bundles>
